<compile_context>
chip_gen: v7x
topology: tpu7x:2x2x1
jax: 0.10.2.dev20260603
libtpu: 0.0.44.dev20260713+nightly
codegen_flags: <defaults>
</compile_context>

<pallas_src>
import functools

import jax
import jax.numpy as jnp
from jax import lax
from jax.experimental import pallas as pl
from jax.experimental.pallas import tpu as pltpu
from jax.experimental.pallas import tpu_sc as plsc

HN = 128
HE = 64
NUM_MPN_STEPS = 3

NWORK = 32
CH = 128
BE = 2048
BN = 2000


def _pad_rows(x, rows):
    return jnp.pad(x, ((0, rows - x.shape[0]),) + ((0, 0),) * (x.ndim - 1))




NBUF = 6


@functools.partial(jax.jit, static_argnames=("dim",))
def _sc_gather(table, idx, dim):
    b = idx.shape[0]
    bpw = b // NWORK
    nch = bpw // CH
    ngrp = nch // NBUF + 2
    mesh = plsc.VectorSubcoreMesh(core_axis_name="c", subcore_axis_name="s")

    @functools.partial(
        pl.kernel,
        out_type=jax.ShapeDtypeStruct((b, dim), jnp.float32),
        mesh=mesh,
        scratch_types=[
            pltpu.VMEM((bpw,), jnp.int32),
            [pltpu.VMEM((CH, dim), jnp.float32) for _ in range(NBUF)],
            [pltpu.SemaphoreType.DMA for _ in range(NBUF)],
        ],
    )
    def k(table_hbm, idx_hbm, out_hbm, idx_v, bufs, sems):
        wid = lax.axis_index("s") * 2 + lax.axis_index("c")
        base = wid * bpw
        pltpu.sync_copy(idx_hbm.at[pl.ds(base, bpw)], idx_v)

        def group(g, carry):
            for bi in range(NBUF):
                i = g * NBUF + bi
                @pl.when(jnp.logical_and(i - 2 >= 0, i - 2 < nch))
                def _():
                    pltpu.make_async_copy(
                        bufs[(bi - 2) % NBUF],
                        out_hbm.at[pl.ds(base + (i - 2) * CH, CH)],
                        sems[(bi - 2) % NBUF]).wait()
                @pl.when(i < nch)
                def _():
                    pltpu.async_copy(
                        table_hbm.at[idx_v.at[pl.ds(i * CH, CH)]],
                        bufs[bi], sems[bi])
                @pl.when(jnp.logical_and(i - 1 >= 0, i - 1 < nch))
                def _():
                    bj = (bi - 1) % NBUF
                    pltpu.make_async_copy(
                        table_hbm.at[idx_v.at[pl.ds((i - 1) * CH, CH)]],
                        bufs[bj], sems[bj]).wait()
                    pltpu.async_copy(
                        bufs[bj],
                        out_hbm.at[pl.ds(base + (i - 1) * CH, CH)],
                        sems[bj])
            return carry

        lax.fori_loop(0, ngrp, group, 0)

    return k(table, idx)


@jax.jit
def _sc_gather_add2(qs, qd, src, dst):
    b = src.shape[0]
    bpw = b // NWORK
    nch = bpw // CH
    mesh = plsc.VectorSubcoreMesh(core_axis_name="c", subcore_axis_name="s")

    @functools.partial(
        pl.kernel,
        out_type=jax.ShapeDtypeStruct((b, HN), jnp.float32),
        mesh=mesh,
        scratch_types=[
            pltpu.VMEM((bpw,), jnp.int32),
            pltpu.VMEM((bpw,), jnp.int32),
            [pltpu.VMEM((CH, HN), jnp.float32) for _ in range(NBUF)],
            [pltpu.SemaphoreType.DMA for _ in range(NBUF)],
        ],
    )
    def k(qs_hbm, qd_hbm, src_hbm, dst_hbm, out_hbm, sidx_v, didx_v, bufs, sems):
        wid = lax.axis_index("s") * 2 + lax.axis_index("c")
        base = wid * bpw
        pltpu.sync_copy(src_hbm.at[pl.ds(base, bpw)], sidx_v)
        pltpu.sync_copy(dst_hbm.at[pl.ds(base, bpw)], didx_v)

        def group(g, carry):
            for bi in range(NBUF):
                i = g * NBUF + bi
                @pl.when(jnp.logical_and(i - 3 >= 0, i - 3 < nch))
                def _():
                    bj = (bi - 3) % NBUF
                    pltpu.make_async_copy(
                        bufs[bj],
                        out_hbm.at[pl.ds(base + (i - 3) * CH, CH)],
                        sems[bj]).wait()
                @pl.when(i < nch)
                def _():
                    pltpu.async_copy(
                        qs_hbm.at[sidx_v.at[pl.ds(i * CH, CH)]],
                        bufs[bi], sems[bi])
                @pl.when(jnp.logical_and(i - 1 >= 0, i - 1 < nch))
                def _():
                    bj = (bi - 1) % NBUF
                    pltpu.make_async_copy(
                        qs_hbm.at[sidx_v.at[pl.ds((i - 1) * CH, CH)]],
                        bufs[bj], sems[bj]).wait()
                    pltpu.async_copy(
                        qd_hbm.at[didx_v.at[pl.ds((i - 1) * CH, CH)]],
                        bufs[bj], sems[bj], add=True)
                @pl.when(jnp.logical_and(i - 2 >= 0, i - 2 < nch))
                def _():
                    bj = (bi - 2) % NBUF
                    pltpu.make_async_copy(
                        qd_hbm.at[didx_v.at[pl.ds((i - 2) * CH, CH)]],
                        bufs[bj], sems[bj]).wait()
                    pltpu.async_copy(
                        bufs[bj],
                        out_hbm.at[pl.ds(base + (i - 2) * CH, CH)],
                        sems[bj])
            return carry

        lax.fori_loop(0, nch // NBUF + 2, group, 0)

    return k(qs, qd, src, dst)


@functools.partial(jax.jit, static_argnames=("num_nodes",))
def _sc_segment_sum(msg, dst, zeros, num_nodes):
    e_rows = msg.shape[0]
    half = num_nodes // 2
    rpt = (half // 16) // 8 * 8
    tail = half - 16 * rpt
    garbage = half
    sh_rows = half + 8
    rows_t = e_rows // 16
    NB2 = 2
    chs = CH
    nch = rows_t // chs
    mesh = plsc.VectorSubcoreMesh(core_axis_name="c", subcore_axis_name="s")

    @functools.partial(
        pl.kernel,
        out_type=jax.ShapeDtypeStruct((num_nodes, HN), jnp.float32),
        mesh=mesh,
        scratch_types=[
            [pltpu.VMEM((chs,), jnp.int32) for _ in range(NB2)],
            [pltpu.VMEM((chs,), jnp.int32) for _ in range(NB2)],
            [pltpu.VMEM((chs, HN), jnp.float32) for _ in range(NB2)],
            pltpu.VMEM_SHARED((sh_rows, HN), jnp.float32),
            [pltpu.SemaphoreType.DMA for _ in range(NB2)],
            [pltpu.SemaphoreType.DMA for _ in range(NB2)],
        ],
    )
    def k(msg_hbm, dst_hbm, zeros_hbm, out_hbm, didxs, lidxs, bufs, acc_sh,
          sems, dsems):
        c = lax.axis_index("c")
        s = lax.axis_index("s")
        node_base = c * half
        tbase = s * rows_t
        pltpu.sync_copy(zeros_hbm.at[pl.ds(s * rpt, rpt)],
                        acc_sh.at[pl.ds(s * rpt, rpt)])
        if tail:
            @pl.when(s == 0)
            def _():
                pltpu.sync_copy(zeros_hbm.at[pl.ds(16 * rpt, tail)],
                                acc_sh.at[pl.ds(16 * rpt, tail)])
        plsc.subcore_barrier()

        def group(g, carry):
            for bi in range(NB2):
                i = g * NB2 + bi
                @pl.when(i < nch)
                def _():
                    pltpu.async_copy(
                        dst_hbm.at[pl.ds(tbase + i * chs, chs)],
                        didxs[bi], dsems[bi])
                    pltpu.async_copy(
                        msg_hbm.at[pl.ds(tbase + i * chs, chs)],
                        bufs[bi], sems[bi])
                @pl.when(jnp.logical_and(i - 1 >= 0, i - 1 < nch))
                def _():
                    bj = (bi - 1) % NB2
                    pltpu.make_async_copy(
                        dst_hbm.at[pl.ds(tbase + (i - 1) * chs, chs)],
                        didxs[bj], dsems[bj]).wait()
                    pltpu.make_async_copy(
                        msg_hbm.at[pl.ds(tbase + (i - 1) * chs, chs)],
                        bufs[bj], sems[bj]).wait()
                    for j in range(chs // 16):
                        v = didxs[bj][pl.ds(j * 16, 16)]
                        lo = v - node_base
                        ok = (lo >= 0) & (lo < half)
                        lidxs[bj][pl.ds(j * 16, 16)] = jnp.where(ok, lo, garbage)
                    pltpu.sync_copy(bufs[bj], acc_sh.at[lidxs[bj]], add=True)
            return carry

        lax.fori_loop(0, nch // NB2 + 2, group, 0)
        plsc.subcore_barrier()
        pltpu.sync_copy(acc_sh.at[pl.ds(s * rpt, rpt)],
                        out_hbm.at[pl.ds(node_base + s * rpt, rpt)])
        if tail:
            @pl.when(s == 0)
            def _():
                pltpu.sync_copy(
                    acc_sh.at[pl.ds(16 * rpt, tail)],
                    out_hbm.at[pl.ds(node_base + 16 * rpt, tail)])

    return k(msg, dst, zeros)




def _full(shape):
    return pl.BlockSpec(shape, lambda i: (0,) * len(shape))


def _rows(block, width):
    return pl.BlockSpec((block, width), lambda i: (i, 0))


def _dot(a, b):
    return jnp.dot(a, b, preferred_element_type=jnp.float32)


def _tc_node_init(nf, wn, bn, wm_h):
    n = nf.shape[0]

    def body(nf_ref, wn_ref, bn_ref, wmh_ref, h_ref, p_ref):
        h = jnp.maximum(_dot(nf_ref[...], wn_ref[...]) + bn_ref[...], 0.0)
        h_ref[...] = h
        p_ref[...] = _dot(h, wmh_ref[...])

    return pl.pallas_call(
        body,
        grid=(n // BN,),
        in_specs=[_rows(BN, HN), _full((HN, HN)), _full((1, HN)), _full((HN, HN))],
        out_specs=[_rows(BN, HN), _rows(BN, HN)],
        out_shape=[jax.ShapeDtypeStruct((n, HN), jnp.float32)] * 2,
    )(nf, wn, bn, wm_h)


def _tc_edge_init(ef, we, be):
    e_rows = ef.shape[0]

    def body(ef_ref, we_ref, be_ref, out_ref):
        out_ref[...] = jnp.maximum(ef_ref[...] * we_ref[...] + be_ref[...], 0.0)

    return pl.pallas_call(
        body,
        grid=(e_rows // BE,),
        in_specs=[_rows(BE, 1), _full((1, HE)), _full((1, HE))],
        out_specs=_rows(BE, HE),
        out_shape=jax.ShapeDtypeStruct((e_rows, HE), jnp.float32),
    )(ef, we, be)


def _tc_msg(g, e, wm_e, bm):
    e_rows = g.shape[0]

    def body(g_ref, e_ref, w_ref, b_ref, out_ref):
        out_ref[...] = jnp.maximum(
            g_ref[...] + _dot(e_ref[...], w_ref[...]) + b_ref[...], 0.0)

    return pl.pallas_call(
        body,
        grid=(e_rows // BE,),
        in_specs=[_rows(BE, HN), _rows(BE, HE), _full((HE, HN)), _full((1, HN))],
        out_specs=_rows(BE, HN),
        out_shape=jax.ShapeDtypeStruct((e_rows, HN), jnp.float32),
    )(g, e, wm_e, bm)


def _tc_node_update(h, agg, wu_h, wu_a, bu, wue_s, wue_d, wm_h):
    n = h.shape[0]

    def body(h_ref, agg_ref, wuh_ref, wua_ref, bu_ref, ws_ref, wd_ref,
             wmh_ref, hn_ref, qs_ref, qd_ref, p_ref):
        hn = jnp.maximum(
            _dot(h_ref[...], wuh_ref[...]) + _dot(agg_ref[...], wua_ref[...])
            + bu_ref[...], 0.0)
        hn_ref[...] = hn
        pad = jnp.zeros((hn.shape[0], HN - HE), jnp.float32)
        qs_ref[...] = jnp.concatenate([_dot(hn, ws_ref[...]), pad], axis=1)
        qd_ref[...] = jnp.concatenate([_dot(hn, wd_ref[...]), pad], axis=1)
        p_ref[...] = _dot(hn, wmh_ref[...])

    return pl.pallas_call(
        body,
        grid=(n // BN,),
        in_specs=[_rows(BN, HN), _rows(BN, HN), _full((HN, HN)), _full((HN, HN)),
                  _full((1, HN)), _full((HN, HE)), _full((HN, HE)), _full((HN, HN))],
        out_specs=[_rows(BN, HN), _rows(BN, HN), _rows(BN, HN), _rows(BN, HN)],
        out_shape=[jax.ShapeDtypeStruct((n, HN), jnp.float32),
                   jax.ShapeDtypeStruct((n, HN), jnp.float32),
                   jax.ShapeDtypeStruct((n, HN), jnp.float32),
                   jax.ShapeDtypeStruct((n, HN), jnp.float32)],
    )(h, agg, wu_h, wu_a, bu, wue_s, wue_d, wm_h)


def _tc_edge_update(sd, e, wue_e, bue):
    e_rows = sd.shape[0]

    def body(sd_ref, e_ref, w_ref, b_ref, out_ref):
        out_ref[...] = jnp.maximum(
            sd_ref[:, :HE] + _dot(e_ref[...], w_ref[...]) + b_ref[...], 0.0)

    return pl.pallas_call(
        body,
        grid=(e_rows // BE,),
        in_specs=[_rows(BE, HN), _rows(BE, HE), _full((HE, HE)), _full((1, HE))],
        out_specs=_rows(BE, HE),
        out_shape=jax.ShapeDtypeStruct((e_rows, HE), jnp.float32),
    )(sd, e, wue_e, bue)


def _tc_classifier(ha, hb, e1, e2, w1a, w1b, w1p, b1, w2, b2, w3, b3,
                   w4, b4, w5, b5, w6, b6):
    n = ha.shape[0]

    def body(ha_ref, hb_ref, e1_ref, e2_ref, w1a_ref, w1b_ref, w1p_ref, b1_ref,
             w2_ref, b2_ref, w3_ref, b3_ref, w4_ref, b4_ref, w5_ref, b5_ref,
             w6_ref, b6_ref, out_ref):
        pbh = e1_ref[...] + e2_ref[...]
        x = jnp.maximum(
            _dot(ha_ref[...], w1a_ref[...]) + _dot(hb_ref[...], w1b_ref[...])
            + _dot(pbh, w1p_ref[...]) + b1_ref[...], 0.0)
        x = jnp.maximum(_dot(x, w2_ref[...]) + b2_ref[...], 0.0)
        x = jnp.maximum(_dot(x, w3_ref[...]) + b3_ref[...], 0.0)
        x = jnp.maximum(_dot(x, w4_ref[...]) + b4_ref[...], 0.0)
        x = jnp.maximum(_dot(x, w5_ref[...]) + b5_ref[...], 0.0)
        z = _dot(x, w6_ref[...]) + b6_ref[...]
        m = jnp.max(z, axis=1, keepdims=True)
        ez = jnp.exp(z - m)
        out_ref[...] = ez / jnp.sum(ez, axis=1, keepdims=True)

    return pl.pallas_call(
        body,
        grid=(n // BN,),
        in_specs=[_rows(BN, HN), _rows(BN, HN), _rows(BN, HE), _rows(BN, HE),
                  _full((HN, 128)), _full((HN, 128)), _full((HE, 128)),
                  _full((1, 128)),
                  _full((128, 256)), _full((1, 256)),
                  _full((256, 256)), _full((1, 256)),
                  _full((256, 128)), _full((1, 128)),
                  _full((128, 64)), _full((1, 64)),
                  _full((64, 4)), _full((1, 4))],
        out_specs=_rows(BN, 4),
        out_shape=jax.ShapeDtypeStruct((n, 4), jnp.float32),
    )(ha, hb, e1, e2, w1a, w1b, w1p, b1, w2, b2, w3, b3, w4, b4, w5, b5, w6, b6)




def kernel(a_node_features, a_edge_features, a_edges, a_batch_indices,
           b_node_features, b_edge_features, b_edges, b_batch_indices,
           proposed_bonds, Wn, bn, We, be, Wm, bm, Wu, bu, Wue, bue,
           W1, b1, W2, b2, W3, b3, W4, b4, W5, b5, W6, b6):
    num_a = a_node_features.shape[0]
    ea = a_edges.shape[1]
    eb = b_edges.shape[1]
    nc = proposed_bonds.shape[1]
    num_nodes = num_a + b_node_features.shape[0]
    e_rows = ea + eb + 2 * nc
    align = NWORK * CH
    e_pad = -(-e_rows // align) * align
    cls_pad = -(-2 * nc // align) * align

    pb0 = proposed_bonds[0]
    pb1 = proposed_bonds[1] + num_a
    add_edges = jnp.concatenate(
        [jnp.stack([pb0, pb1]), jnp.stack([pb1, pb0])], axis=1)
    edges = jnp.concatenate([a_edges, b_edges + num_a, add_edges], axis=1)
    src = jnp.pad(edges[0], (0, e_pad - e_rows))
    dst_g = jnp.pad(edges[1], (0, e_pad - e_rows))
    dst_s = jnp.pad(edges[1], (0, e_pad - e_rows),
                    constant_values=num_nodes)
    nf = jnp.concatenate([a_node_features, b_node_features], axis=0)
    ef = jnp.concatenate(
        [a_edge_features, b_edge_features,
         jnp.full((2 * nc, 1), -1000.0, jnp.float32)], axis=0)
    ef = _pad_rows(ef, e_pad)
    idx_cls = jnp.pad(jnp.concatenate([pb0, pb1]), (0, cls_pad - 2 * nc))
    zeros_half = jnp.zeros((num_nodes // 2, HN), jnp.float32)

    wm_h, wm_e = Wm[:HN], Wm[HN:]
    wu_h, wu_a = Wu[:HN], Wu[HN:]
    wue_s, wue_d, wue_e = Wue[:HN], Wue[HN:2 * HN], Wue[2 * HN:]
    w1a, w1b, w1p = W1[:HN], W1[HN:2 * HN], W1[2 * HN:]
    bn2, bm2, bu2, be2, bue2 = (x.reshape(1, -1) for x in (bn, bm, bu, be, bue))
    b1r, b2r, b3r, b4r, b5r, b6r = (x.reshape(1, -1)
                                    for x in (b1, b2, b3, b4, b5, b6))

    h, p = _tc_node_init(nf, Wn, bn2, wm_h)
    e = _tc_edge_init(ef, We, be2)
    for _ in range(NUM_MPN_STEPS):
        g = _sc_gather(p, src, dim=HN)
        msg = _tc_msg(g, e, wm_e, bm2)
        agg = _sc_segment_sum(msg, dst_s, zeros_half, num_nodes)
        h, qs, qd, p = _tc_node_update(h, agg, wu_h, wu_a, bu2,
                                       wue_s, wue_d, wm_h)
        sd = _sc_gather_add2(qs, qd, src, dst_g)
        e = _tc_edge_update(sd, e, wue_e, bue2)

    hh = _sc_gather(h, idx_cls, dim=HN)
    ha, hb = hh[:nc], hh[nc:2 * nc]
    off = ea + eb
    e1 = e[off:off + nc]
    e2 = e[off + nc:off + 2 * nc]
    return _tc_classifier(ha, hb, e1, e2, w1a, w1b, w1p, b1r,
                          W2, b2r, W3, b3r, W4, b4r, W5, b5r, W6, b6r)

# --- scband reference (transcript-rebuilt; emitter-appended) ---
"""Pipeline reference for scband-classify-mol-bond-15212774163217 (READ-ONLY COPY).

The authoritative reference and input builder live on the scoring server;
editing this copy changes nothing except your own understanding.
"""

import jax, jax.numpy as jnp
import numpy as np

NUM_STEPS = 3
N = 10000
EA = 160000
EB = 160000
NC = 20000
DN = 128
DE = 1
HN = 128
HE = 64


def _init_params(key):
    ks = jax.random.split(key, 24)
    def w(k, i, o):
        return jax.random.normal(k, (i, o), dtype=jnp.float32) / np.sqrt(i)
    p = {}
    p['Wn'] = w(ks[0], DN, HN); p['bn'] = jnp.zeros((HN,), jnp.float32)
    p['We'] = w(ks[1], DE, HE); p['be'] = jnp.zeros((HE,), jnp.float32)
    p['Wm'] = w(ks[2], HN + HE, HN); p['bm'] = jnp.zeros((HN,), jnp.float32)
    p['Wu'] = w(ks[3], HN + HN, HN); p['bu'] = jnp.zeros((HN,), jnp.float32)
    p['Wue'] = w(ks[4], HN + HN + HE, HE); p['bue'] = jnp.zeros((HE,), jnp.float32)
    dims = [HN + HE + HN, 128, 256, 256, 128, 64, 4]
    for i in range(6):
        p['W%d' % (i + 1)] = w(ks[5 + i], dims[i], dims[i + 1])
        p['b%d' % (i + 1)] = jnp.zeros((dims[i + 1],), jnp.float32)
    return p


def setup_inputs(seed: int = 0):
    key = jax.random.key(seed)
    ks = jax.random.split(key, 8)
    inp = {}
    inp['a_node_features'] = jax.random.normal(ks[0], (N, DN), dtype=jnp.float32)
    inp['a_edge_features'] = jax.random.normal(ks[1], (EA, DE), dtype=jnp.float32)
    inp['a_edges'] = jax.random.randint(ks[2], (2, EA), 0, N, dtype=jnp.int32)
    inp['a_batch_indices'] = jnp.zeros((N,), dtype=jnp.int32)
    inp['b_node_features'] = jax.random.normal(ks[3], (N, DN), dtype=jnp.float32)
    inp['b_edge_features'] = jax.random.normal(ks[4], (EB, DE), dtype=jnp.float32)
    inp['b_edges'] = jax.random.randint(ks[5], (2, EB), 0, N, dtype=jnp.int32)
    inp['b_batch_indices'] = jnp.zeros((N,), dtype=jnp.int32)
    inp['proposed_bonds'] = jax.random.randint(ks[6], (2, NC), 0, N, dtype=jnp.int32)
    inp.update(_init_params(ks[7]))
    return inp


def _mpn(node_feats, edge_feats, edges, Wn, bn, We, be, Wm, bm, Wu, bu, Wue, bue):
    n = node_feats.shape[0]
    h = jax.nn.relu(node_feats @ Wn + bn)
    e = jax.nn.relu(edge_feats @ We + be)
    src = edges[0]
    dst = edges[1]
    for _ in range(NUM_STEPS):
        msg = jax.nn.relu(jnp.concatenate([h[src], e], axis=1) @ Wm + bm)
        agg = jax.ops.segment_sum(msg, dst, num_segments=n)
        h = jax.nn.relu(jnp.concatenate([h, agg], axis=1) @ Wu + bu)
        e = jax.nn.relu(jnp.concatenate([h[src], h[dst], e], axis=1) @ Wue + bue)
    return h, e


def reference(a_node_features, a_edge_features, a_edges, a_batch_indices, b_node_features, b_edge_features, b_edges, b_batch_indices, proposed_bonds, Wn, bn, We, be, Wm, bm, Wu, bu, Wue, bue, W1, b1, W2, b2, W3, b3, W4, b4, W5, b5, W6, b6):
    num_a = a_node_features.shape[0]
    ea = a_edges.shape[1]
    eb = b_edges.shape[1]
    nc = proposed_bonds.shape[1]
    pb1 = proposed_bonds[1] + num_a
    additional = jnp.concatenate([jnp.stack([proposed_bonds[0], pb1]), jnp.stack([pb1, proposed_bonds[0]])], axis=1)
    node_feats = jnp.concatenate([a_node_features, b_node_features], axis=0)
    edge_feats = jnp.concatenate([a_edge_features, b_edge_features, jnp.full((additional.shape[1], 1), -1000.0, dtype=jnp.float32)], axis=0)
    edges = jnp.concatenate([a_edges, b_edges + num_a, additional], axis=1)
    h, e = _mpn(node_feats, edge_feats, edges, Wn, bn, We, be, Wm, bm, Wu, bu, Wue, bue)
    off = ea + eb
    pbh = e[off:off + nc] + e[off + nc:]
    x = jnp.concatenate([h[proposed_bonds[0]], h[num_a:][proposed_bonds[1]], pbh], axis=1)
    for W, b in ((W1, b1), (W2, b2), (W3, b3), (W4, b4), (W5, b5)):
        x = jax.nn.relu(x @ W + b)
    x = x @ W6 + b6
    return jax.nn.softmax(x, axis=1)

if __name__ == "__main__":
    import jax
    _d = setup_inputs()
    print(jax.jit(kernel)(*tuple(_d.values())))

</pallas_src>

<mosaic_0001>
#map = affine_map<(d0, d1) -> (0, 0)>
#map1 = affine_map<(d0, d1) -> (0)>
module attributes {stable_mosaic.version = 14 : i64} {
  func.func @k(%arg0: i32, %arg1: i32, %arg2: memref<20000x128xf32, #tpu.memory_space<hbm>>, %arg3: memref<360448xi32, #tpu.memory_space<hbm>>, %arg4: memref<360448x128xf32, #tpu.memory_space<hbm>>, %arg5: memref<11264xi32, #tpu.memory_space<vmem>>, %arg6: memref<128x128xf32, #tpu.memory_space<vmem>>, %arg7: memref<128x128xf32, #tpu.memory_space<vmem>>, %arg8: memref<128x128xf32, #tpu.memory_space<vmem>>, %arg9: memref<128x128xf32, #tpu.memory_space<vmem>>, %arg10: memref<128x128xf32, #tpu.memory_space<vmem>>, %arg11: memref<128x128xf32, #tpu.memory_space<vmem>>, %arg12: memref<!tpu.dma_semaphore, #tpu.memory_space<semaphore_mem>>, %arg13: memref<!tpu.dma_semaphore, #tpu.memory_space<semaphore_mem>>, %arg14: memref<!tpu.dma_semaphore, #tpu.memory_space<semaphore_mem>>, %arg15: memref<!tpu.dma_semaphore, #tpu.memory_space<semaphore_mem>>, %arg16: memref<!tpu.dma_semaphore, #tpu.memory_space<semaphore_mem>>, %arg17: memref<!tpu.dma_semaphore, #tpu.memory_space<semaphore_mem>>) attributes {dimension_semantics = [#tpu.dimension_semantics<core_parallel>, #tpu.dimension_semantics<subcore_parallel>], iteration_bounds = array<i64: 2, 16>, scalar_prefetch = 0 : i64, scratch_operands = 13 : i64, tpu.core_type = #tpu.core_type<sc_vector_subcore>, window_params = [{transform_indices = #map}, {transform_indices = #map1}, {transform_indices = #map}]} {
    %mul3A = arith.constant 2 : i32
    %mul3A_0 = arith.muli %arg1, %mul3A : i32
    %add3A = arith.addi %mul3A_0, %arg0 : i32
    %mul3A_1 = arith.constant 11264 : i32
    %mul3A_2 = arith.muli %add3A, %mul3A_1 : i32
    "tpu.region"() ({
      %run_scoped3A = tpu.sem_alloc : memref<!tpu.dma_semaphore, #tpu.memory_space<semaphore_mem>>
      %dma_start3A = tpu.memref_slice %arg3[%mul3A_2] : memref<360448xi32, #tpu.memory_space<hbm>> -> memref<11264xi32, #tpu.memory_space<hbm>>
      %dma_start3A_8 = tpu.memref_slice %arg3[%mul3A_2] : memref<360448xi32, #tpu.memory_space<hbm>> -> memref<11264xi32, #tpu.memory_space<hbm>>
      tpu.enqueue_dma source(%dma_start3A_8 : memref<11264xi32, #tpu.memory_space<hbm>>) target(%arg5 : memref<11264xi32, #tpu.memory_space<vmem>>) target_semaphore(%run_scoped3A : memref<!tpu.dma_semaphore, #tpu.memory_space<semaphore_mem>>)
      %dma_wait3A = tpu.memref_slice %arg3[%mul3A_2] : memref<360448xi32, #tpu.memory_space<hbm>> -> memref<11264xi32, #tpu.memory_space<hbm>>
      %dma_wait3A_9 = tpu.memref_slice %arg3[%mul3A_2] : memref<360448xi32, #tpu.memory_space<hbm>> -> memref<11264xi32, #tpu.memory_space<hbm>>
      tpu.wait_dma2 semaphore(%run_scoped3A : memref<!tpu.dma_semaphore, #tpu.memory_space<semaphore_mem>>) src(%dma_wait3A_9 : memref<11264xi32, #tpu.memory_space<hbm>>) dst(%arg5 : memref<11264xi32, #tpu.memory_space<vmem>>)
      tpu.yield
    }) : () -> ()
    %scan3A = arith.constant 0 : i32
    %scan3A_3 = arith.constant 0 : i32
    %scan3A_4 = arith.constant 16 : i32
    %scan3A_5 = arith.addi %scan3A_3, %scan3A_4 : i32
    %scan3A_6 = arith.constant 1 : i32
    scf.for %scan3A_8 = %scan3A_3 to %scan3A_5 step %scan3A_6  : i32 {
      %mul3A_9 = arith.constant 6 : i32
      %mul3A_10 = arith.muli %scan3A_8, %mul3A_9 : i32
      %add3A_11 = arith.constant 0 : i32
      %add3A_12 = arith.addi %mul3A_10, %add3A_11 : i32
      %sub3A = arith.constant 2 : i32
      %sub3A_13 = arith.subi %add3A_12, %sub3A : i32
      %ge3A = arith.constant 0 : i32
      %ge3A_14 = arith.cmpi sge, %sub3A_13, %ge3A : i32
      %sub3A_15 = arith.constant 2 : i32
      %sub3A_16 = arith.subi %add3A_12, %sub3A_15 : i32
      %lt3A = arith.constant 88 : i32
      %lt3A_17 = arith.cmpi slt, %sub3A_16, %lt3A : i32
      %and3A = arith.andi %ge3A_14, %lt3A_17 : i1
      %convert_element_type3A = arith.extui %and3A : i1 to i32
      %cond3A = arith.constant 0 : i32
      %cond3A_18 = arith.cmpi ne, %convert_element_type3A, %cond3A : i32
      scf.if %cond3A_18 {
        %sub3A_201 = arith.constant 2 : i32
        %sub3A_202 = arith.subi %add3A_12, %sub3A_201 : i32
        %mul3A_203 = arith.constant 128 : i32
        %mul3A_204 = arith.muli %sub3A_202, %mul3A_203 : i32
        %add3A_205 = arith.addi %mul3A_2, %mul3A_204 : i32
        %dma_wait3A = arith.constant 0 : i32
        %dma_wait3A_206 = tpu.memref_slice %arg4[%add3A_205, %dma_wait3A] : memref<360448x128xf32, #tpu.memory_space<hbm>> -> memref<128x128xf32, #tpu.memory_space<hbm>>
        %dma_wait3A_207 = arith.constant 0 : i32
        %dma_wait3A_208 = tpu.memref_slice %arg4[%add3A_205, %dma_wait3A_207] : memref<360448x128xf32, #tpu.memory_space<hbm>> -> memref<128x128xf32, #tpu.memory_space<hbm>>
        tpu.wait_dma2 semaphore(%arg16 : memref<!tpu.dma_semaphore, #tpu.memory_space<semaphore_mem>>) src(%arg10 : memref<128x128xf32, #tpu.memory_space<vmem>>) dst(%dma_wait3A_208 : memref<128x128xf32, #tpu.memory_space<hbm>>)
      } else {
      }
      %lt3A_19 = arith.constant 88 : i32
      %lt3A_20 = arith.cmpi slt, %add3A_12, %lt3A_19 : i32
      %convert_element_type3A_21 = arith.extui %lt3A_20 : i1 to i32
      %cond3A_22 = arith.constant 0 : i32
      %cond3A_23 = arith.cmpi ne, %convert_element_type3A_21, %cond3A_22 : i32
      scf.if %cond3A_23 {
        %mul3A_201 = arith.constant 128 : i32
        %mul3A_202 = arith.muli %add3A_12, %mul3A_201 : i32
        %dma_start3A = tpu.memref_slice %arg5[%mul3A_202] : memref<11264xi32, #tpu.memory_space<vmem>> -> memref<128xi32, #tpu.memory_space<vmem>>
        %dma_start3A_203 = arith.constant 0 : i32
        %dma_start3A_204 = arith.constant 0 : i32
        %dma_start3A_205 = tpu.memref_slice %arg2[%dma_start3A_203, %dma_start3A_204] : memref<20000x128xf32, #tpu.memory_space<hbm>> -> memref<20000x128xf32, #tpu.memory_space<hbm>>
        tpu.enqueue_indirect_dma source(%dma_start3A_205 : memref<20000x128xf32, #tpu.memory_space<hbm>>) target(%arg6 : memref<128x128xf32, #tpu.memory_space<vmem>>) offsets(%dma_start3A : memref<128xi32, #tpu.memory_space<vmem>>) semaphore(%arg12 : memref<!tpu.dma_semaphore, #tpu.memory_space<semaphore_mem>>)
      } else {
      }
      %sub3A_24 = arith.constant 1 : i32
      %sub3A_25 = arith.subi %add3A_12, %sub3A_24 : i32
      %ge3A_26 = arith.constant 0 : i32
      %ge3A_27 = arith.cmpi sge, %sub3A_25, %ge3A_26 : i32
      %sub3A_28 = arith.constant 1 : i32
      %sub3A_29 = arith.subi %add3A_12, %sub3A_28 : i32
      %lt3A_30 = arith.constant 88 : i32
      %lt3A_31 = arith.cmpi slt, %sub3A_29, %lt3A_30 : i32
      %and3A_32 = arith.andi %ge3A_27, %lt3A_31 : i1
      %convert_element_type3A_33 = arith.extui %and3A_32 : i1 to i32
      %cond3A_34 = arith.constant 0 : i32
      %cond3A_35 = arith.cmpi ne, %convert_element_type3A_33, %cond3A_34 : i32
      scf.if %cond3A_35 {
        %sub3A_201 = arith.constant 1 : i32
        %sub3A_202 = arith.subi %add3A_12, %sub3A_201 : i32
        %mul3A_203 = arith.constant 128 : i32
        %mul3A_204 = arith.muli %sub3A_202, %mul3A_203 : i32
        %dma_wait3A = tpu.memref_slice %arg5[%mul3A_204] : memref<11264xi32, #tpu.memory_space<vmem>> -> memref<128xi32, #tpu.memory_space<vmem>>
        %dma_wait3A_205 = arith.constant 0 : i32
        %dma_wait3A_206 = arith.constant 0 : i32
        %dma_wait3A_207 = tpu.memref_slice %arg2[%dma_wait3A_205, %dma_wait3A_206] : memref<20000x128xf32, #tpu.memory_space<hbm>> -> memref<20000x128xf32, #tpu.memory_space<hbm>>
        tpu.wait_indirect_dma semaphore(%arg17 : memref<!tpu.dma_semaphore, #tpu.memory_space<semaphore_mem>>) src(%dma_wait3A_207 : memref<20000x128xf32, #tpu.memory_space<hbm>>) dst(%arg11 : memref<128x128xf32, #tpu.memory_space<vmem>>)
        %sub3A_208 = arith.constant 1 : i32
        %sub3A_209 = arith.subi %add3A_12, %sub3A_208 : i32
        %mul3A_210 = arith.constant 128 : i32
        %mul3A_211 = arith.muli %sub3A_209, %mul3A_210 : i32
        %add3A_212 = arith.addi %mul3A_2, %mul3A_211 : i32
        %dma_start3A = arith.constant 0 : i32
        %dma_start3A_213 = tpu.memref_slice %arg4[%add3A_212, %dma_start3A] : memref<360448x128xf32, #tpu.memory_space<hbm>> -> memref<128x128xf32, #tpu.memory_space<hbm>>
        %dma_start3A_214 = arith.constant 0 : i32
        %dma_start3A_215 = tpu.memref_slice %arg4[%add3A_212, %dma_start3A_214] : memref<360448x128xf32, #tpu.memory_space<hbm>> -> memref<128x128xf32, #tpu.memory_space<hbm>>
        tpu.enqueue_dma source(%arg11 : memref<128x128xf32, #tpu.memory_space<vmem>>) target(%dma_start3A_215 : memref<128x128xf32, #tpu.memory_space<hbm>>) target_semaphore(%arg17 : memref<!tpu.dma_semaphore, #tpu.memory_space<semaphore_mem>>)
      } else {
      }
      %mul3A_36 = arith.constant 6 : i32
      %mul3A_37 = arith.muli %scan3A_8, %mul3A_36 : i32
      %add3A_38 = arith.constant 1 : i32
      %add3A_39 = arith.addi %mul3A_37, %add3A_38 : i32
      %sub3A_40 = arith.constant 2 : i32
      %sub3A_41 = arith.subi %add3A_39, %sub3A_40 : i32
      %ge3A_42 = arith.constant 0 : i32
      %ge3A_43 = arith.cmpi sge, %sub3A_41, %ge3A_42 : i32
      %sub3A_44 = arith.constant 2 : i32
      %sub3A_45 = arith.subi %add3A_39, %sub3A_44 : i32
      %lt3A_46 = arith.constant 88 : i32
      %lt3A_47 = arith.cmpi slt, %sub3A_45, %lt3A_46 : i32
      %and3A_48 = arith.andi %ge3A_43, %lt3A_47 : i1
      %convert_element_type3A_49 = arith.extui %and3A_48 : i1 to i32
      %cond3A_50 = arith.constant 0 : i32
      %cond3A_51 = arith.cmpi ne, %convert_element_type3A_49, %cond3A_50 : i32
      scf.if %cond3A_51 {
        %sub3A_201 = arith.constant 2 : i32
        %sub3A_202 = arith.subi %add3A_39, %sub3A_201 : i32
        %mul3A_203 = arith.constant 128 : i32
        %mul3A_204 = arith.muli %sub3A_202, %mul3A_203 : i32
        %add3A_205 = arith.addi %mul3A_2, %mul3A_204 : i32
        %dma_wait3A = arith.constant 0 : i32
        %dma_wait3A_206 = tpu.memref_slice %arg4[%add3A_205, %dma_wait3A] : memref<360448x128xf32, #tpu.memory_space<hbm>> -> memref<128x128xf32, #tpu.memory_space<hbm>>
        %dma_wait3A_207 = arith.constant 0 : i32
        %dma_wait3A_208 = tpu.memref_slice %arg4[%add3A_205, %dma_wait3A_207] : memref<360448x128xf32, #tpu.memory_space<hbm>> -> memref<128x128xf32, #tpu.memory_space<hbm>>
        tpu.wait_dma2 semaphore(%arg17 : memref<!tpu.dma_semaphore, #tpu.memory_space<semaphore_mem>>) src(%arg11 : memref<128x128xf32, #tpu.memory_space<vmem>>) dst(%dma_wait3A_208 : memref<128x128xf32, #tpu.memory_space<hbm>>)
      } else {
      }
      %lt3A_52 = arith.constant 88 : i32
      %lt3A_53 = arith.cmpi slt, %add3A_39, %lt3A_52 : i32
      %convert_element_type3A_54 = arith.extui %lt3A_53 : i1 to i32
      %cond3A_55 = arith.constant 0 : i32
      %cond3A_56 = arith.cmpi ne, %convert_element_type3A_54, %cond3A_55 : i32
      scf.if %cond3A_56 {
        %mul3A_201 = arith.constant 128 : i32
        %mul3A_202 = arith.muli %add3A_39, %mul3A_201 : i32
        %dma_start3A = tpu.memref_slice %arg5[%mul3A_202] : memref<11264xi32, #tpu.memory_space<vmem>> -> memref<128xi32, #tpu.memory_space<vmem>>
        %dma_start3A_203 = arith.constant 0 : i32
        %dma_start3A_204 = arith.constant 0 : i32
        %dma_start3A_205 = tpu.memref_slice %arg2[%dma_start3A_203, %dma_start3A_204] : memref<20000x128xf32, #tpu.memory_space<hbm>> -> memref<20000x128xf32, #tpu.memory_space<hbm>>
        tpu.enqueue_indirect_dma source(%dma_start3A_205 : memref<20000x128xf32, #tpu.memory_space<hbm>>) target(%arg7 : memref<128x128xf32, #tpu.memory_space<vmem>>) offsets(%dma_start3A : memref<128xi32, #tpu.memory_space<vmem>>) semaphore(%arg13 : memref<!tpu.dma_semaphore, #tpu.memory_space<semaphore_mem>>)
      } else {
      }
      %sub3A_57 = arith.constant 1 : i32
      %sub3A_58 = arith.subi %add3A_39, %sub3A_57 : i32
      %ge3A_59 = arith.constant 0 : i32
      %ge3A_60 = arith.cmpi sge, %sub3A_58, %ge3A_59 : i32
      %sub3A_61 = arith.constant 1 : i32
      %sub3A_62 = arith.subi %add3A_39, %sub3A_61 : i32
      %lt3A_63 = arith.constant 88 : i32
      %lt3A_64 = arith.cmpi slt, %sub3A_62, %lt3A_63 : i32
      %and3A_65 = arith.andi %ge3A_60, %lt3A_64 : i1
      %convert_element_type3A_66 = arith.extui %and3A_65 : i1 to i32
      %cond3A_67 = arith.constant 0 : i32
      %cond3A_68 = arith.cmpi ne, %convert_element_type3A_66, %cond3A_67 : i32
      scf.if %cond3A_68 {
        %sub3A_201 = arith.constant 1 : i32
        %sub3A_202 = arith.subi %add3A_39, %sub3A_201 : i32
        %mul3A_203 = arith.constant 128 : i32
        %mul3A_204 = arith.muli %sub3A_202, %mul3A_203 : i32
        %dma_wait3A = tpu.memref_slice %arg5[%mul3A_204] : memref<11264xi32, #tpu.memory_space<vmem>> -> memref<128xi32, #tpu.memory_space<vmem>>
        %dma_wait3A_205 = arith.constant 0 : i32
        %dma_wait3A_206 = arith.constant 0 : i32
        %dma_wait3A_207 = tpu.memref_slice %arg2[%dma_wait3A_205, %dma_wait3A_206] : memref<20000x128xf32, #tpu.memory_space<hbm>> -> memref<20000x128xf32, #tpu.memory_space<hbm>>
        tpu.wait_indirect_dma semaphore(%arg12 : memref<!tpu.dma_semaphore, #tpu.memory_space<semaphore_mem>>) src(%dma_wait3A_207 : memref<20000x128xf32, #tpu.memory_space<hbm>>) dst(%arg6 : memref<128x128xf32, #tpu.memory_space<vmem>>)
        %sub3A_208 = arith.constant 1 : i32
        %sub3A_209 = arith.subi %add3A_39, %sub3A_208 : i32
        %mul3A_210 = arith.constant 128 : i32
        %mul3A_211 = arith.muli %sub3A_209, %mul3A_210 : i32
        %add3A_212 = arith.addi %mul3A_2, %mul3A_211 : i32
        %dma_start3A = arith.constant 0 : i32
        %dma_start3A_213 = tpu.memref_slice %arg4[%add3A_212, %dma_start3A] : memref<360448x128xf32, #tpu.memory_space<hbm>> -> memref<128x128xf32, #tpu.memory_space<hbm>>
        %dma_start3A_214 = arith.constant 0 : i32
        %dma_start3A_215 = tpu.memref_slice %arg4[%add3A_212, %dma_start3A_214] : memref<360448x128xf32, #tpu.memory_space<hbm>> -> memref<128x128xf32, #tpu.memory_space<hbm>>
        tpu.enqueue_dma source(%arg6 : memref<128x128xf32, #tpu.memory_space<vmem>>) target(%dma_start3A_215 : memref<128x128xf32, #tpu.memory_space<hbm>>) target_semaphore(%arg12 : memref<!tpu.dma_semaphore, #tpu.memory_space<semaphore_mem>>)
      } else {
      }
      %mul3A_69 = arith.constant 6 : i32
      %mul3A_70 = arith.muli %scan3A_8, %mul3A_69 : i32
      %add3A_71 = arith.constant 2 : i32
      %add3A_72 = arith.addi %mul3A_70, %add3A_71 : i32
      %sub3A_73 = arith.constant 2 : i32
      %sub3A_74 = arith.subi %add3A_72, %sub3A_73 : i32
      %ge3A_75 = arith.constant 0 : i32
      %ge3A_76 = arith.cmpi sge, %sub3A_74, %ge3A_75 : i32
      %sub3A_77 = arith.constant 2 : i32
      %sub3A_78 = arith.subi %add3A_72, %sub3A_77 : i32
      %lt3A_79 = arith.constant 88 : i32
      %lt3A_80 = arith.cmpi slt, %sub3A_78, %lt3A_79 : i32
      %and3A_81 = arith.andi %ge3A_76, %lt3A_80 : i1
      %convert_element_type3A_82 = arith.extui %and3A_81 : i1 to i32
      %cond3A_83 = arith.constant 0 : i32
      %cond3A_84 = arith.cmpi ne, %convert_element_type3A_82, %cond3A_83 : i32
      scf.if %cond3A_84 {
        %sub3A_201 = arith.constant 2 : i32
        %sub3A_202 = arith.subi %add3A_72, %sub3A_201 : i32
        %mul3A_203 = arith.constant 128 : i32
        %mul3A_204 = arith.muli %sub3A_202, %mul3A_203 : i32
        %add3A_205 = arith.addi %mul3A_2, %mul3A_204 : i32
        %dma_wait3A = arith.constant 0 : i32
        %dma_wait3A_206 = tpu.memref_slice %arg4[%add3A_205, %dma_wait3A] : memref<360448x128xf32, #tpu.memory_space<hbm>> -> memref<128x128xf32, #tpu.memory_space<hbm>>
        %dma_wait3A_207 = arith.constant 0 : i32
        %dma_wait3A_208 = tpu.memref_slice %arg4[%add3A_205, %dma_wait3A_207] : memref<360448x128xf32, #tpu.memory_space<hbm>> -> memref<128x128xf32, #tpu.memory_space<hbm>>
        tpu.wait_dma2 semaphore(%arg12 : memref<!tpu.dma_semaphore, #tpu.memory_space<semaphore_mem>>) src(%arg6 : memref<128x128xf32, #tpu.memory_space<vmem>>) dst(%dma_wait3A_208 : memref<128x128xf32, #tpu.memory_space<hbm>>)
      } else {
      }
      %lt3A_85 = arith.constant 88 : i32
      %lt3A_86 = arith.cmpi slt, %add3A_72, %lt3A_85 : i32
      %convert_element_type3A_87 = arith.extui %lt3A_86 : i1 to i32
      %cond3A_88 = arith.constant 0 : i32
      %cond3A_89 = arith.cmpi ne, %convert_element_type3A_87, %cond3A_88 : i32
      scf.if %cond3A_89 {
        %mul3A_201 = arith.constant 128 : i32
        %mul3A_202 = arith.muli %add3A_72, %mul3A_201 : i32
        %dma_start3A = tpu.memref_slice %arg5[%mul3A_202] : memref<11264xi32, #tpu.memory_space<vmem>> -> memref<128xi32, #tpu.memory_space<vmem>>
        %dma_start3A_203 = arith.constant 0 : i32
        %dma_start3A_204 = arith.constant 0 : i32
        %dma_start3A_205 = tpu.memref_slice %arg2[%dma_start3A_203, %dma_start3A_204] : memref<20000x128xf32, #tpu.memory_space<hbm>> -> memref<20000x128xf32, #tpu.memory_space<hbm>>
        tpu.enqueue_indirect_dma source(%dma_start3A_205 : memref<20000x128xf32, #tpu.memory_space<hbm>>) target(%arg8 : memref<128x128xf32, #tpu.memory_space<vmem>>) offsets(%dma_start3A : memref<128xi32, #tpu.memory_space<vmem>>) semaphore(%arg14 : memref<!tpu.dma_semaphore, #tpu.memory_space<semaphore_mem>>)
      } else {
      }
      %sub3A_90 = arith.constant 1 : i32
      %sub3A_91 = arith.subi %add3A_72, %sub3A_90 : i32
      %ge3A_92 = arith.constant 0 : i32
      %ge3A_93 = arith.cmpi sge, %sub3A_91, %ge3A_92 : i32
      %sub3A_94 = arith.constant 1 : i32
      %sub3A_95 = arith.subi %add3A_72, %sub3A_94 : i32
      %lt3A_96 = arith.constant 88 : i32
      %lt3A_97 = arith.cmpi slt, %sub3A_95, %lt3A_96 : i32
      %and3A_98 = arith.andi %ge3A_93, %lt3A_97 : i1
      %convert_element_type3A_99 = arith.extui %and3A_98 : i1 to i32
      %cond3A_100 = arith.constant 0 : i32
      %cond3A_101 = arith.cmpi ne, %convert_element_type3A_99, %cond3A_100 : i32
      scf.if %cond3A_101 {
        %sub3A_201 = arith.constant 1 : i32
        %sub3A_202 = arith.subi %add3A_72, %sub3A_201 : i32
        %mul3A_203 = arith.constant 128 : i32
        %mul3A_204 = arith.muli %sub3A_202, %mul3A_203 : i32
        %dma_wait3A = tpu.memref_slice %arg5[%mul3A_204] : memref<11264xi32, #tpu.memory_space<vmem>> -> memref<128xi32, #tpu.memory_space<vmem>>
        %dma_wait3A_205 = arith.constant 0 : i32
        %dma_wait3A_206 = arith.constant 0 : i32
        %dma_wait3A_207 = tpu.memref_slice %arg2[%dma_wait3A_205, %dma_wait3A_206] : memref<20000x128xf32, #tpu.memory_space<hbm>> -> memref<20000x128xf32, #tpu.memory_space<hbm>>
        tpu.wait_indirect_dma semaphore(%arg13 : memref<!tpu.dma_semaphore, #tpu.memory_space<semaphore_mem>>) src(%dma_wait3A_207 : memref<20000x128xf32, #tpu.memory_space<hbm>>) dst(%arg7 : memref<128x128xf32, #tpu.memory_space<vmem>>)
        %sub3A_208 = arith.constant 1 : i32
        %sub3A_209 = arith.subi %add3A_72, %sub3A_208 : i32
        %mul3A_210 = arith.constant 128 : i32
        %mul3A_211 = arith.muli %sub3A_209, %mul3A_210 : i32
        %add3A_212 = arith.addi %mul3A_2, %mul3A_211 : i32
        %dma_start3A = arith.constant 0 : i32
        %dma_start3A_213 = tpu.memref_slice %arg4[%add3A_212, %dma_start3A] : memref<360448x128xf32, #tpu.memory_space<hbm>> -> memref<128x128xf32, #tpu.memory_space<hbm>>
        %dma_start3A_214 = arith.constant 0 : i32
        %dma_start3A_215 = tpu.memref_slice %arg4[%add3A_212, %dma_start3A_214] : memref<360448x128xf32, #tpu.memory_space<hbm>> -> memref<128x128xf32, #tpu.memory_space<hbm>>
        tpu.enqueue_dma source(%arg7 : memref<128x128xf32, #tpu.memory_space<vmem>>) target(%dma_start3A_215 : memref<128x128xf32, #tpu.memory_space<hbm>>) target_semaphore(%arg13 : memref<!tpu.dma_semaphore, #tpu.memory_space<semaphore_mem>>)
      } else {
      }
      %mul3A_102 = arith.constant 6 : i32
      %mul3A_103 = arith.muli %scan3A_8, %mul3A_102 : i32
      %add3A_104 = arith.constant 3 : i32
      %add3A_105 = arith.addi %mul3A_103, %add3A_104 : i32
      %sub3A_106 = arith.constant 2 : i32
      %sub3A_107 = arith.subi %add3A_105, %sub3A_106 : i32
      %ge3A_108 = arith.constant 0 : i32
      %ge3A_109 = arith.cmpi sge, %sub3A_107, %ge3A_108 : i32
      %sub3A_110 = arith.constant 2 : i32
      %sub3A_111 = arith.subi %add3A_105, %sub3A_110 : i32
      %lt3A_112 = arith.constant 88 : i32
      %lt3A_113 = arith.cmpi slt, %sub3A_111, %lt3A_112 : i32
      %and3A_114 = arith.andi %ge3A_109, %lt3A_113 : i1
      %convert_element_type3A_115 = arith.extui %and3A_114 : i1 to i32
      %cond3A_116 = arith.constant 0 : i32
      %cond3A_117 = arith.cmpi ne, %convert_element_type3A_115, %cond3A_116 : i32
      scf.if %cond3A_117 {
        %sub3A_201 = arith.constant 2 : i32
        %sub3A_202 = arith.subi %add3A_105, %sub3A_201 : i32
        %mul3A_203 = arith.constant 128 : i32
        %mul3A_204 = arith.muli %sub3A_202, %mul3A_203 : i32
        %add3A_205 = arith.addi %mul3A_2, %mul3A_204 : i32
        %dma_wait3A = arith.constant 0 : i32
        %dma_wait3A_206 = tpu.memref_slice %arg4[%add3A_205, %dma_wait3A] : memref<360448x128xf32, #tpu.memory_space<hbm>> -> memref<128x128xf32, #tpu.memory_space<hbm>>
        %dma_wait3A_207 = arith.constant 0 : i32
        %dma_wait3A_208 = tpu.memref_slice %arg4[%add3A_205, %dma_wait3A_207] : memref<360448x128xf32, #tpu.memory_space<hbm>> -> memref<128x128xf32, #tpu.memory_space<hbm>>
        tpu.wait_dma2 semaphore(%arg13 : memref<!tpu.dma_semaphore, #tpu.memory_space<semaphore_mem>>) src(%arg7 : memref<128x128xf32, #tpu.memory_space<vmem>>) dst(%dma_wait3A_208 : memref<128x128xf32, #tpu.memory_space<hbm>>)
      } else {
      }
      %lt3A_118 = arith.constant 88 : i32
      %lt3A_119 = arith.cmpi slt, %add3A_105, %lt3A_118 : i32
      %convert_element_type3A_120 = arith.extui %lt3A_119 : i1 to i32
      %cond3A_121 = arith.constant 0 : i32
      %cond3A_122 = arith.cmpi ne, %convert_element_type3A_120, %cond3A_121 : i32
      scf.if %cond3A_122 {
        %mul3A_201 = arith.constant 128 : i32
        %mul3A_202 = arith.muli %add3A_105, %mul3A_201 : i32
        %dma_start3A = tpu.memref_slice %arg5[%mul3A_202] : memref<11264xi32, #tpu.memory_space<vmem>> -> memref<128xi32, #tpu.memory_space<vmem>>
        %dma_start3A_203 = arith.constant 0 : i32
        %dma_start3A_204 = arith.constant 0 : i32
        %dma_start3A_205 = tpu.memref_slice %arg2[%dma_start3A_203, %dma_start3A_204] : memref<20000x128xf32, #tpu.memory_space<hbm>> -> memref<20000x128xf32, #tpu.memory_space<hbm>>
        tpu.enqueue_indirect_dma source(%dma_start3A_205 : memref<20000x128xf32, #tpu.memory_space<hbm>>) target(%arg9 : memref<128x128xf32, #tpu.memory_space<vmem>>) offsets(%dma_start3A : memref<128xi32, #tpu.memory_space<vmem>>) semaphore(%arg15 : memref<!tpu.dma_semaphore, #tpu.memory_space<semaphore_mem>>)
      } else {
      }
      %sub3A_123 = arith.constant 1 : i32
      %sub3A_124 = arith.subi %add3A_105, %sub3A_123 : i32
      %ge3A_125 = arith.constant 0 : i32
      %ge3A_126 = arith.cmpi sge, %sub3A_124, %ge3A_125 : i32
      %sub3A_127 = arith.constant 1 : i32
      %sub3A_128 = arith.subi %add3A_105, %sub3A_127 : i32
      %lt3A_129 = arith.constant 88 : i32
      %lt3A_130 = arith.cmpi slt, %sub3A_128, %lt3A_129 : i32
      %and3A_131 = arith.andi %ge3A_126, %lt3A_130 : i1
      %convert_element_type3A_132 = arith.extui %and3A_131 : i1 to i32
      %cond3A_133 = arith.constant 0 : i32
      %cond3A_134 = arith.cmpi ne, %convert_element_type3A_132, %cond3A_133 : i32
      scf.if %cond3A_134 {
        %sub3A_201 = arith.constant 1 : i32
        %sub3A_202 = arith.subi %add3A_105, %sub3A_201 : i32
        %mul3A_203 = arith.constant 128 : i32
        %mul3A_204 = arith.muli %sub3A_202, %mul3A_203 : i32
        %dma_wait3A = tpu.memref_slice %arg5[%mul3A_204] : memref<11264xi32, #tpu.memory_space<vmem>> -> memref<128xi32, #tpu.memory_space<vmem>>
        %dma_wait3A_205 = arith.constant 0 : i32
        %dma_wait3A_206 = arith.constant 0 : i32
        %dma_wait3A_207 = tpu.memref_slice %arg2[%dma_wait3A_205, %dma_wait3A_206] : memref<20000x128xf32, #tpu.memory_space<hbm>> -> memref<20000x128xf32, #tpu.memory_space<hbm>>
        tpu.wait_indirect_dma semaphore(%arg14 : memref<!tpu.dma_semaphore, #tpu.memory_space<semaphore_mem>>) src(%dma_wait3A_207 : memref<20000x128xf32, #tpu.memory_space<hbm>>) dst(%arg8 : memref<128x128xf32, #tpu.memory_space<vmem>>)
        %sub3A_208 = arith.constant 1 : i32
        %sub3A_209 = arith.subi %add3A_105, %sub3A_208 : i32
        %mul3A_210 = arith.constant 128 : i32
        %mul3A_211 = arith.muli %sub3A_209, %mul3A_210 : i32
        %add3A_212 = arith.addi %mul3A_2, %mul3A_211 : i32
        %dma_start3A = arith.constant 0 : i32
        %dma_start3A_213 = tpu.memref_slice %arg4[%add3A_212, %dma_start3A] : memref<360448x128xf32, #tpu.memory_space<hbm>> -> memref<128x128xf32, #tpu.memory_space<hbm>>
        %dma_start3A_214 = arith.constant 0 : i32
        %dma_start3A_215 = tpu.memref_slice %arg4[%add3A_212, %dma_start3A_214] : memref<360448x128xf32, #tpu.memory_space<hbm>> -> memref<128x128xf32, #tpu.memory_space<hbm>>
        tpu.enqueue_dma source(%arg8 : memref<128x128xf32, #tpu.memory_space<vmem>>) target(%dma_start3A_215 : memref<128x128xf32, #tpu.memory_space<hbm>>) target_semaphore(%arg14 : memref<!tpu.dma_semaphore, #tpu.memory_space<semaphore_mem>>)
      } else {
      }
      %mul3A_135 = arith.constant 6 : i32
      %mul3A_136 = arith.muli %scan3A_8, %mul3A_135 : i32
      %add3A_137 = arith.constant 4 : i32
      %add3A_138 = arith.addi %mul3A_136, %add3A_137 : i32
      %sub3A_139 = arith.constant 2 : i32
      %sub3A_140 = arith.subi %add3A_138, %sub3A_139 : i32
      %ge3A_141 = arith.constant 0 : i32
      %ge3A_142 = arith.cmpi sge, %sub3A_140, %ge3A_141 : i32
      %sub3A_143 = arith.constant 2 : i32
      %sub3A_144 = arith.subi %add3A_138, %sub3A_143 : i32
      %lt3A_145 = arith.constant 88 : i32
      %lt3A_146 = arith.cmpi slt, %sub3A_144, %lt3A_145 : i32
      %and3A_147 = arith.andi %ge3A_142, %lt3A_146 : i1
      %convert_element_type3A_148 = arith.extui %and3A_147 : i1 to i32
      %cond3A_149 = arith.constant 0 : i32
      %cond3A_150 = arith.cmpi ne, %convert_element_type3A_148, %cond3A_149 : i32
      scf.if %cond3A_150 {
        %sub3A_201 = arith.constant 2 : i32
        %sub3A_202 = arith.subi %add3A_138, %sub3A_201 : i32
        %mul3A_203 = arith.constant 128 : i32
        %mul3A_204 = arith.muli %sub3A_202, %mul3A_203 : i32
        %add3A_205 = arith.addi %mul3A_2, %mul3A_204 : i32
        %dma_wait3A = arith.constant 0 : i32
        %dma_wait3A_206 = tpu.memref_slice %arg4[%add3A_205, %dma_wait3A] : memref<360448x128xf32, #tpu.memory_space<hbm>> -> memref<128x128xf32, #tpu.memory_space<hbm>>
        %dma_wait3A_207 = arith.constant 0 : i32
        %dma_wait3A_208 = tpu.memref_slice %arg4[%add3A_205, %dma_wait3A_207] : memref<360448x128xf32, #tpu.memory_space<hbm>> -> memref<128x128xf32, #tpu.memory_space<hbm>>
        tpu.wait_dma2 semaphore(%arg14 : memref<!tpu.dma_semaphore, #tpu.memory_space<semaphore_mem>>) src(%arg8 : memref<128x128xf32, #tpu.memory_space<vmem>>) dst(%dma_wait3A_208 : memref<128x128xf32, #tpu.memory_space<hbm>>)
      } else {
      }
      %lt3A_151 = arith.constant 88 : i32
      %lt3A_152 = arith.cmpi slt, %add3A_138, %lt3A_151 : i32
      %convert_element_type3A_153 = arith.extui %lt3A_152 : i1 to i32
      %cond3A_154 = arith.constant 0 : i32
      %cond3A_155 = arith.cmpi ne, %convert_element_type3A_153, %cond3A_154 : i32
      scf.if %cond3A_155 {
        %mul3A_201 = arith.constant 128 : i32
        %mul3A_202 = arith.muli %add3A_138, %mul3A_201 : i32
        %dma_start3A = tpu.memref_slice %arg5[%mul3A_202] : memref<11264xi32, #tpu.memory_space<vmem>> -> memref<128xi32, #tpu.memory_space<vmem>>
        %dma_start3A_203 = arith.constant 0 : i32
        %dma_start3A_204 = arith.constant 0 : i32
        %dma_start3A_205 = tpu.memref_slice %arg2[%dma_start3A_203, %dma_start3A_204] : memref<20000x128xf32, #tpu.memory_space<hbm>> -> memref<20000x128xf32, #tpu.memory_space<hbm>>
        tpu.enqueue_indirect_dma source(%dma_start3A_205 : memref<20000x128xf32, #tpu.memory_space<hbm>>) target(%arg10 : memref<128x128xf32, #tpu.memory_space<vmem>>) offsets(%dma_start3A : memref<128xi32, #tpu.memory_space<vmem>>) semaphore(%arg16 : memref<!tpu.dma_semaphore, #tpu.memory_space<semaphore_mem>>)
      } else {
      }
      %sub3A_156 = arith.constant 1 : i32
      %sub3A_157 = arith.subi %add3A_138, %sub3A_156 : i32
      %ge3A_158 = arith.constant 0 : i32
      %ge3A_159 = arith.cmpi sge, %sub3A_157, %ge3A_158 : i32
      %sub3A_160 = arith.constant 1 : i32
      %sub3A_161 = arith.subi %add3A_138, %sub3A_160 : i32
      %lt3A_162 = arith.constant 88 : i32
      %lt3A_163 = arith.cmpi slt, %sub3A_161, %lt3A_162 : i32
      %and3A_164 = arith.andi %ge3A_159, %lt3A_163 : i1
      %convert_element_type3A_165 = arith.extui %and3A_164 : i1 to i32
      %cond3A_166 = arith.constant 0 : i32
      %cond3A_167 = arith.cmpi ne, %convert_element_type3A_165, %cond3A_166 : i32
      scf.if %cond3A_167 {
        %sub3A_201 = arith.constant 1 : i32
        %sub3A_202 = arith.subi %add3A_138, %sub3A_201 : i32
        %mul3A_203 = arith.constant 128 : i32
        %mul3A_204 = arith.muli %sub3A_202, %mul3A_203 : i32
        %dma_wait3A = tpu.memref_slice %arg5[%mul3A_204] : memref<11264xi32, #tpu.memory_space<vmem>> -> memref<128xi32, #tpu.memory_space<vmem>>
        %dma_wait3A_205 = arith.constant 0 : i32
        %dma_wait3A_206 = arith.constant 0 : i32
        %dma_wait3A_207 = tpu.memref_slice %arg2[%dma_wait3A_205, %dma_wait3A_206] : memref<20000x128xf32, #tpu.memory_space<hbm>> -> memref<20000x128xf32, #tpu.memory_space<hbm>>
        tpu.wait_indirect_dma semaphore(%arg15 : memref<!tpu.dma_semaphore, #tpu.memory_space<semaphore_mem>>) src(%dma_wait3A_207 : memref<20000x128xf32, #tpu.memory_space<hbm>>) dst(%arg9 : memref<128x128xf32, #tpu.memory_space<vmem>>)
        %sub3A_208 = arith.constant 1 : i32
        %sub3A_209 = arith.subi %add3A_138, %sub3A_208 : i32
        %mul3A_210 = arith.constant 128 : i32
        %mul3A_211 = arith.muli %sub3A_209, %mul3A_210 : i32
        %add3A_212 = arith.addi %mul3A_2, %mul3A_211 : i32
        %dma_start3A = arith.constant 0 : i32
        %dma_start3A_213 = tpu.memref_slice %arg4[%add3A_212, %dma_start3A] : memref<360448x128xf32, #tpu.memory_space<hbm>> -> memref<128x128xf32, #tpu.memory_space<hbm>>
        %dma_start3A_214 = arith.constant 0 : i32
        %dma_start3A_215 = tpu.memref_slice %arg4[%add3A_212, %dma_start3A_214] : memref<360448x128xf32, #tpu.memory_space<hbm>> -> memref<128x128xf32, #tpu.memory_space<hbm>>
        tpu.enqueue_dma source(%arg9 : memref<128x128xf32, #tpu.memory_space<vmem>>) target(%dma_start3A_215 : memref<128x128xf32, #tpu.memory_space<hbm>>) target_semaphore(%arg15 : memref<!tpu.dma_semaphore, #tpu.memory_space<semaphore_mem>>)
      } else {
      }
      %mul3A_168 = arith.constant 6 : i32
      %mul3A_169 = arith.muli %scan3A_8, %mul3A_168 : i32
      %add3A_170 = arith.constant 5 : i32
      %add3A_171 = arith.addi %mul3A_169, %add3A_170 : i32
      %sub3A_172 = arith.constant 2 : i32
      %sub3A_173 = arith.subi %add3A_171, %sub3A_172 : i32
      %ge3A_174 = arith.constant 0 : i32
      %ge3A_175 = arith.cmpi sge, %sub3A_173, %ge3A_174 : i32
      %sub3A_176 = arith.constant 2 : i32
      %sub3A_177 = arith.subi %add3A_171, %sub3A_176 : i32
      %lt3A_178 = arith.constant 88 : i32
      %lt3A_179 = arith.cmpi slt, %sub3A_177, %lt3A_178 : i32
      %and3A_180 = arith.andi %ge3A_175, %lt3A_179 : i1
      %convert_element_type3A_181 = arith.extui %and3A_180 : i1 to i32
      %cond3A_182 = arith.constant 0 : i32
      %cond3A_183 = arith.cmpi ne, %convert_element_type3A_181, %cond3A_182 : i32
      scf.if %cond3A_183 {
        %sub3A_201 = arith.constant 2 : i32
        %sub3A_202 = arith.subi %add3A_171, %sub3A_201 : i32
        %mul3A_203 = arith.constant 128 : i32
        %mul3A_204 = arith.muli %sub3A_202, %mul3A_203 : i32
        %add3A_205 = arith.addi %mul3A_2, %mul3A_204 : i32
        %dma_wait3A = arith.constant 0 : i32
        %dma_wait3A_206 = tpu.memref_slice %arg4[%add3A_205, %dma_wait3A] : memref<360448x128xf32, #tpu.memory_space<hbm>> -> memref<128x128xf32, #tpu.memory_space<hbm>>
        %dma_wait3A_207 = arith.constant 0 : i32
        %dma_wait3A_208 = tpu.memref_slice %arg4[%add3A_205, %dma_wait3A_207] : memref<360448x128xf32, #tpu.memory_space<hbm>> -> memref<128x128xf32, #tpu.memory_space<hbm>>
        tpu.wait_dma2 semaphore(%arg15 : memref<!tpu.dma_semaphore, #tpu.memory_space<semaphore_mem>>) src(%arg9 : memref<128x128xf32, #tpu.memory_space<vmem>>) dst(%dma_wait3A_208 : memref<128x128xf32, #tpu.memory_space<hbm>>)
      } else {
      }
      %lt3A_184 = arith.constant 88 : i32
      %lt3A_185 = arith.cmpi slt, %add3A_171, %lt3A_184 : i32
      %convert_element_type3A_186 = arith.extui %lt3A_185 : i1 to i32
      %cond3A_187 = arith.constant 0 : i32
      %cond3A_188 = arith.cmpi ne, %convert_element_type3A_186, %cond3A_187 : i32
      scf.if %cond3A_188 {
        %mul3A_201 = arith.constant 128 : i32
        %mul3A_202 = arith.muli %add3A_171, %mul3A_201 : i32
        %dma_start3A = tpu.memref_slice %arg5[%mul3A_202] : memref<11264xi32, #tpu.memory_space<vmem>> -> memref<128xi32, #tpu.memory_space<vmem>>
        %dma_start3A_203 = arith.constant 0 : i32
        %dma_start3A_204 = arith.constant 0 : i32
        %dma_start3A_205 = tpu.memref_slice %arg2[%dma_start3A_203, %dma_start3A_204] : memref<20000x128xf32, #tpu.memory_space<hbm>> -> memref<20000x128xf32, #tpu.memory_space<hbm>>
        tpu.enqueue_indirect_dma source(%dma_start3A_205 : memref<20000x128xf32, #tpu.memory_space<hbm>>) target(%arg11 : memref<128x128xf32, #tpu.memory_space<vmem>>) offsets(%dma_start3A : memref<128xi32, #tpu.memory_space<vmem>>) semaphore(%arg17 : memref<!tpu.dma_semaphore, #tpu.memory_space<semaphore_mem>>)
      } else {
      }
      %sub3A_189 = arith.constant 1 : i32
      %sub3A_190 = arith.subi %add3A_171, %sub3A_189 : i32
      %ge3A_191 = arith.constant 0 : i32
      %ge3A_192 = arith.cmpi sge, %sub3A_190, %ge3A_191 : i32
      %sub3A_193 = arith.constant 1 : i32
      %sub3A_194 = arith.subi %add3A_171, %sub3A_193 : i32
      %lt3A_195 = arith.constant 88 : i32
      %lt3A_196 = arith.cmpi slt, %sub3A_194, %lt3A_195 : i32
      %and3A_197 = arith.andi %ge3A_192, %lt3A_196 : i1
      %convert_element_type3A_198 = arith.extui %and3A_197 : i1 to i32
      %cond3A_199 = arith.constant 0 : i32
      %cond3A_200 = arith.cmpi ne, %convert_element_type3A_198, %cond3A_199 : i32
      scf.if %cond3A_200 {
        %sub3A_201 = arith.constant 1 : i32
        %sub3A_202 = arith.subi %add3A_171, %sub3A_201 : i32
        %mul3A_203 = arith.constant 128 : i32
        %mul3A_204 = arith.muli %sub3A_202, %mul3A_203 : i32
        %dma_wait3A = tpu.memref_slice %arg5[%mul3A_204] : memref<11264xi32, #tpu.memory_space<vmem>> -> memref<128xi32, #tpu.memory_space<vmem>>
        %dma_wait3A_205 = arith.constant 0 : i32
        %dma_wait3A_206 = arith.constant 0 : i32
        %dma_wait3A_207 = tpu.memref_slice %arg2[%dma_wait3A_205, %dma_wait3A_206] : memref<20000x128xf32, #tpu.memory_space<hbm>> -> memref<20000x128xf32, #tpu.memory_space<hbm>>
        tpu.wait_indirect_dma semaphore(%arg16 : memref<!tpu.dma_semaphore, #tpu.memory_space<semaphore_mem>>) src(%dma_wait3A_207 : memref<20000x128xf32, #tpu.memory_space<hbm>>) dst(%arg10 : memref<128x128xf32, #tpu.memory_space<vmem>>)
        %sub3A_208 = arith.constant 1 : i32
        %sub3A_209 = arith.subi %add3A_171, %sub3A_208 : i32
        %mul3A_210 = arith.constant 128 : i32
        %mul3A_211 = arith.muli %sub3A_209, %mul3A_210 : i32
        %add3A_212 = arith.addi %mul3A_2, %mul3A_211 : i32
        %dma_start3A = arith.constant 0 : i32
        %dma_start3A_213 = tpu.memref_slice %arg4[%add3A_212, %dma_start3A] : memref<360448x128xf32, #tpu.memory_space<hbm>> -> memref<128x128xf32, #tpu.memory_space<hbm>>
        %dma_start3A_214 = arith.constant 0 : i32
        %dma_start3A_215 = tpu.memref_slice %arg4[%add3A_212, %dma_start3A_214] : memref<360448x128xf32, #tpu.memory_space<hbm>> -> memref<128x128xf32, #tpu.memory_space<hbm>>
        tpu.enqueue_dma source(%arg10 : memref<128x128xf32, #tpu.memory_space<vmem>>) target(%dma_start3A_215 : memref<128x128xf32, #tpu.memory_space<hbm>>) target_semaphore(%arg16 : memref<!tpu.dma_semaphore, #tpu.memory_space<semaphore_mem>>)
      } else {
      }
    }
    %scan3A_7 = arith.constant 16 : i32
    return
  }
}

</mosaic_0001>

<sc_bundles>
// kernel: _sc_gather.3.cloned.1.call-start
scs
__scs_entry_jumppad:
0x0: {  	(pc) =	sbr.rel $0x88, $3  }
0x1: {  	(tag) =	ssettag $0x0;
	lr =	simm.s32 $0x1  }
0x2: {  	[smem:$0x3F9F] =	sst lr;
	_ =	strace $0xD0000000  }
0x3: {  	_ = 	snop  }
0x4: {  	_ = 	snop  }
0x5: {  	_ = 	snop  }
0x6: {  	_ = 	snop  }
0x7: {  	_ = 	snop  }
__scs_overlays_trampoline_lowered:
0x8: {  	[smem:$0x3FAE] =	sst s0  }
0x9: {  	[smem:$0x3FAF] =	sst s1  }
0xa: {  	[smem:$0x3FB0] =	sst s2  }
0xb: {  	[smem:$0x3FB1] =	sst s3  }
0xc: {  	[smem:$0x3FB2] =	sst s4  }
0xd: {  	[smem:$0x3FB3] =	sst s5  }
0xe: {  	[smem:$0x3FB4] =	sst s6  }
0xf: {  	[smem:$0x3FB5] =	sst s7  }
0x10: {  	[smem:$0x3FB6] =	sst s8  }
0x11: {  	[smem:$0x3FB7] =	sst s9;
	s0 =	simm.s32 @!p0 $0x0  }
0x12: {  	s1 =	sld [smem:$0x3F9D];
	s0 =	simm.s32 @p0 $0x1  }
0x13: {  	[smem:$0x3FB8] =	sst s0;
	s0 =	simm.s32 @!p1 $0x0  }
0x14: {  	s2 =	sld [smem:$0x3F9C];
	s0 =	simm.s32 @p1 $0x1  }
0x15: {  	[smem:$0x3FB9] =	sst s0;
	s0 =	simm.s32 @!p2 $0x0  }
0x16: {  	s3 =	sld [smem:$0x3FDB];
	s0 =	simm.s32 @p2 $0x1  }
0x17: {  	s4 =	simm.s32 $0x1BF5;
	[smem:$0x3FBB] =	sst s0  }
0x18: {  	s0 =	sld [smem:$0x3F9E];
	_ =	swait.ge [sflag:s4], $0x0  }
0x19: {  	s7 =	sld [smem:$0x3F9F]  }
0x1a: {  	s8 =	sadd.s32 $0xFFFFE003, lr  }
0x1b: {  	s9 =	sadd.s32 $0xFFFFFEF7, lr;
	s5 =	simm.s32 $0xFFFFFFFF;
	p2 =	slt.u32 s8, $0xFFFFF086  }
0x1c: {  	p1 =	slt.u32 s9, $0xF7A;
	s5 =	simm.s32 @!p2 $0x0  }
0x1d: {  	s5 =	simm.s32 @p1 $0x1;
	p0 =	seq.s32 s7, s2  }
0x1e: {  	s7 =	smul.u32 @!p0 $0xF7A, s2;
	p2 =	seq.s32 @!p0 s5, $0x0  }
0x1f: {  	s9 =	smul.u32 $0xF7A, s1;
	s8 =	simm.s32 @!p0 $0x1BF5;
	p2 =	por !p2, p0  }
0x20: {  	[sflag:s8] =	ssyncset.s32 @!p0 $0xFFFFF086;
	s6 =	sadd.s32 @!p0 s3, s7;
	s7 =	simm.s32 @!p0 $0x108  }
0x21: {  	s3 =	sadd.s32 s3, s9;
	s6 =	sadd.s32 @!p0 $0x88, s6;
	s7 =	simm.s32 @p2 $0x1082  }
0x22: {  	[simem:s7], [sflag:s8] =	dma.local @!p0 [hbm:s6], $0xF7A  }
0x23: {  	s9 =	sor.u32 $0xD0000000, s2;
	s6 =	simm.s32 $0x108;
	_ =	swait.ge @!p0 [sflag:s8], $0x0  }
0x24: {  	s3 =	sadd.s32 $0x88, s3;
	s6 =	simm.s32 @!p1 $0x1082;
	[sflag:s4] =	ssyncset.s32 $0xFFFFF086  }
0x25: {  	[simem:s6], [sflag:s4] =	dma.local [hbm:s3], $0xF7A  }
0x26: {  	[smem:$0x3F9F] =	sst s1;
	(tag) =	ssettag s2;
	_ =	strace s9  }
0x27: {  	s1 =	sld [smem:$0x3FAF]  }
0x28: {  	s2 =	sld [smem:$0x3FB0]  }
0x29: {  	s4 =	sld [smem:$0x3FB2]  }
0x2a: {  	p0 =	seq.s32 s5, $0x0;
	s5 =	sld [smem:$0x3FB3]  }
0x2b: {  	s6 =	sld [smem:$0x3FB4]  }
0x2c: {  	s7 =	sld [smem:$0x3FB5]  }
0x2d: {  	s3 =	simm.s32 $0x108;
	s8 =	sld [smem:$0x3FB6]  }
0x2e: {  	s3 =	simm.s32 @!p0 $0x1082;
	s9 =	sld [smem:$0x3FB7]  }
0x2f: {  	lr =	sadd.s32 s0, s3;
	s0 =	sld [smem:$0x3FAE]  }
0x30: {  	s3 =	sld [smem:$0x3FB1]  }
0x31: {  	[smem:$0x3FBA] =	sst s10  }
0x32: {  	s10 =	sld [smem:$0x3FB8];
	_ =	sdelay $0x3  }
0x33: {  	p0 =	seq.s32 s10, $0x1;
	s10 =	sld [smem:$0x3FBA];
	_ =	sdelay $0x3  }
0x34: {  	[smem:$0x3FBA] =	sst s10  }
0x35: {  	s10 =	sld [smem:$0x3FB9];
	_ =	sdelay $0x3  }
0x36: {  	p1 =	seq.s32 s10, $0x1;
	s10 =	sld [smem:$0x3FBA];
	_ =	sdelay $0x3  }
0x37: {  	[smem:$0x3FBA] =	sst s10  }
0x38: {  	s10 =	sld [smem:$0x3FBB]  }
0x39: {  	_ = 	snop;
	(pc) =	sbr.ind lr, $3  }
0x3a: {  	_ = 	snop  }
0x3b: {  	_ = 	snop  }
0x3c: {  	p2 =	seq.s32 s10, $0x1;
	s10 =	sld [smem:$0x3FBA]  }
0x3d: {  	_ =	shalt  }
0x3e: {  	_ =	shalt  }
0x3f: {  	_ =	shalt  }
0x40: {  	_ =	shalt  }
0x41: {  	_ =	shalt  }
0x42: {  	_ =	shalt  }
0x43: {  	_ =	shalt  }
0x44: {  	_ =	shalt  }
0x45: {  	_ =	shalt  }
0x46: {  	_ =	shalt  }
0x47: {  	_ =	shalt  }
0x48: {  	_ =	shalt  }
0x49: {  	_ =	shalt  }
0x4a: {  	_ =	shalt  }
0x4b: {  	_ =	shalt  }
0x4c: {  	_ =	shalt  }
0x4d: {  	_ =	shalt  }
0x4e: {  	_ =	shalt  }
0x4f: {  	_ =	shalt  }
0x50: {  	_ =	shalt  }
0x51: {  	_ =	shalt  }
0x52: {  	_ =	shalt  }
0x53: {  	_ =	shalt  }
0x54: {  	_ =	shalt  }
0x55: {  	_ =	shalt  }
0x56: {  	_ =	shalt  }
0x57: {  	_ =	shalt  }
0x58: {  	_ =	shalt  }
0x59: {  	_ =	shalt  }
0x5a: {  	_ =	shalt  }
0x5b: {  	_ =	shalt  }
0x5c: {  	_ =	shalt  }
0x5d: {  	_ =	shalt  }
0x5e: {  	_ =	shalt  }
0x5f: {  	_ =	shalt  }
0x60: {  	_ =	shalt  }
0x61: {  	_ =	shalt  }
0x62: {  	_ =	shalt  }
0x63: {  	_ =	shalt  }
0x64: {  	_ =	shalt  }
0x65: {  	_ =	shalt  }
0x66: {  	_ =	shalt  }
0x67: {  	_ =	shalt  }
0x68: {  	_ =	shalt  }
0x69: {  	_ =	shalt  }
0x6a: {  	_ =	shalt  }
0x6b: {  	_ =	shalt  }
0x6c: {  	_ =	shalt  }
0x6d: {  	_ =	shalt  }
0x6e: {  	_ =	shalt  }
0x6f: {  	_ =	shalt  }
0x70: {  	_ =	shalt  }
0x71: {  	_ =	shalt  }
0x72: {  	_ =	shalt  }
0x73: {  	_ =	shalt  }
0x74: {  	_ =	shalt  }
0x75: {  	_ =	shalt  }
0x76: {  	_ =	shalt  }
0x77: {  	_ =	shalt  }
0x78: {  	_ =	shalt  }
0x79: {  	_ =	shalt  }
0x7a: {  	_ =	shalt  }
0x7b: {  	_ =	shalt  }
0x7c: {  	_ =	shalt  }
0x7d: {  	_ =	shalt  }
0x7e: {  	_ =	shalt  }
0x7f: {  	_ =	shalt  }
0x80: {  	_ =	shalt  }
0x81: {  	_ =	shalt  }
0x82: {  	_ =	shalt  }
0x83: {  	_ =	shalt  }
0x84: {  	_ =	shalt  }
0x85: {  	_ =	shalt  }
0x86: {  	_ =	shalt  }
0x87: {  	_ =	shalt  }
.Lfunc_end0:
.L_simem_size_0:
called_computation_lowered:
.L_overlay_start_0:
0x88: {  	s2 =	sld [smem:$0x3FD9]  }
0x89: {  	s3 =	sld [smem:$0x3FFE];
	_ =	sdelay $0x1  }
0x8a: {  	s1 =	srdreg.scid  }
0x8b: {  	s0 =	sand.u32 $0x1, s1  }
0x8c: {  	s18 =	sshll.u32 s0, $0xA;
	s2 =	sadd.s32 s3, s2  }
0x8d: {  	s2 =	sadd.s32 s2, s18  }
0x8e: {  	[smem:$0x3FC6] =	sst s2  }
0x8f: {  	_ = 	snop  }
0x90: {  	s2 =	sld [smem:$0x3FC9]  }
0x91: {  	s19 =	sld [smem:$0x3FC8]  }
0x92: {  	s4 =	sld [smem:$0x3FD0];
	(tm) =	ssettm $0x1  }
0x93: {  	s5 =	sld [smem:$0x3FFB];
	_ =	sdelay $0x3  }
0x94: {  	_ =	strace s5  }
0x95: {  	s5 =	sld [smem:$0x3FFC];
	_ =	sdelay $0x3  }
0x96: {  	_ =	strace s5  }
0x97: {  	s5 =	sld [smem:$0x3FFD];
	_ =	sdelay $0x3  }
0x98: {  	_ =	strace s5  }
0x99: {  	_ =	strace $0x8FFFFFFF  }
0x9a: {  	s20 =	sld [smem:$0x3FDB];
	_ =	sdelay $0x1  }
0x9b: {  	s6 =	simm.s32 $_scs_section_size  }
0x9c: {  	s7 =	simm.s32 $_size__tile_overlayer_lowered;
	s8 =	simm.s32 $_tile_overlayer_lowered  }
0x9d: {  	s23 =	simm.s32 $0x1BFF;
	s22 =	sshll.u32 s8, $0x1;
	s5 =	sadd.s32 s6, s20  }
0x9e: {  	s9 =	simm.s32 $0x0;
	s21 =	sshll.u32 s7, $0x1;
	s7 =	sadd.s32 s22, s5  }
0x9f: {  	[timem:s9], [sflag:s23] =	dma.local [hbm:s7], s21  }
0xa0: {  	_ =	swait.ge [sflag:s23], s21  }
0xa1: {  	s6 =	ssub.s32 $0x0, s21;
	[sflag:s23] =	ssyncset.done $0x0  }
0xa2: {  	[sflag:s23] =	ssyncadd.s32 s6;
	_ =	sdelay $0x1  }
0xa3: {  	s24 =	simm.s32 $0x1B8B  }
0xa4: {  	_ =	swait.ge [sflag:s24], $0x1  }
0xa5: {  	[sflag:s24] =	ssyncset.done $0x0  }
0xa6: {  	s25 =	simm.s32 $0x1B8E;
	[sflag:s24] =	ssyncadd.s32 $0xFFFFFFFF  }
0xa7: {  	s26 =	simm.s32 $execute0_lowered;
	[smem:$0x3FD2] =	sst s25  }
0xa8: {  	s6 =	sshll.u32 s26, $0x1;
	_ =	strace $0x80000046;
	[dreg:$0x1] =	wrdreg $0xFFFFFFFF  }
0xa9: {  	s28 =	simm.s32 $_size_execute0_lowered;
	s5 =	sadd.s32 s5, s6;
	[dreg:$0x0] =	wrdreg $0x0  }
0xaa: {  	s6 =	sshll.u32 s28, $0x1;
	[dreg:$0x2] =	wrdreg s5  }
0xab: {  	[dreg:$0x3] =	wrdreg s6  }
0xac: {  	[dreg:$0x4] =	wrdreg $0xC0  }
0xad: {  	_ =	task [dreg:s9], $0x5FFFF  }
0xae: {  	[dreg:$0x1] =	wrdreg $0xFFFFFFFF  }
0xaf: {  	[dreg:$0x0] =	wrdreg $0x60  }
0xb0: {  	[dreg:$0x2] =	wrdreg s2  }
0xb1: {  	[dreg:$0x3] =	wrdreg s19  }
0xb2: {  	[dreg:$0x4] =	wrdreg s4  }
0xb3: {  	[dreg:$0x5] =	wrdreg $0x9  }
0xb4: {  	_ =	task.clear_ibuf [dreg:s9], $0x6FFFF;
	_ =	strace $0x90000046  }
0xb5: {  	s29 =	simm.s32 $0x9;
	_ =	strace $0x80000048  }
0xb6: {  	_ =	swait.ge [sflag:s29], $0x1  }
0xb7: {  	[sflag:s29] =	ssyncadd.s32 $0xFFFFFFFF  }
0xb8: {  	_ =	strace $0x90000048  }
0xb9: {  	_ =	sfence  }
0xba: {  	s30 =	sld [smem:$0x0];
	_ =	sdelay $0x2  }
0xbb: {  	s31 =	sshll.u32 s1, $0xD;
	s1 =	sshrl.u32 s1, $0x2  }
0xbc: {  	s3 =	sand.u32 $0x4000, s31;
	s1 =	sadd.s32 s1, s30  }
0xbd: {  	s0 =	sor.u32 s3, s0;
	s1 =	sshll.u32 s1, $0x11  }
0xbe: {  	s0 =	sor.u32 s1, s0  }
0xbf: {  	s0 =	sadd.s32 $0x8F2B, s0  }
0xc0: {  	[sflag:s0] =	ssyncadd.remote.s32 $0x1  }
0xc1: {  	_ =	sfence.sel $0xFFFF  }
0xc2: {  	[dreg:$0x0] =	wrdreg $0xFFFFFFFF;
	(pc) =	sbr.abs _section_cstart, $3  }
0xc3: {  	[dreg:$0x1] =	wrdreg $0xFFFFFFFF  }
0xc4: {  	_ =	task.clear_ibuf [dreg:s9], $0x2FFFF;
	_ =	strace $0x9FFFFFFF  }
0xc5: {  	(tm) =	ssettm $0x7FFFFFFF  }
tec
execute0_lowered:
.L_overlay_start_1:
0x0: {  	(tag) =	ssettag $0x1  }
0x1: {  	s2 =	srdreg.scid;
	s1 =	rddreg [dreg:$0x0]  }
0x2: {  	s0 =	stileid.u32;
	s6 =	rddreg [dreg:$0x1]  }
0x3: {  	s3 =	rddreg [dreg:$0x2];
	s8 =	smul.u32 $0x2C0000, s0  }
0x4: {  	s4 =	simm.s32 $0x0;
	s5 =	sand.u32 $0x1, s2;
	s12 =	smul.u32 $0x58000, s0  }
0x5: {  	s26 =	sshll.u32 s0, $0x1;
	[smem:$0x7FF] =	sst s4;
	s10 =	smul.u32 $0x160000, s5  }
0x6: {  	s2 =	sor.u32 s5, s26;
	s9 =	ssub.s32 $0x2, s5;
	s13 =	smul.u32 $0x2C000, s5  }
0x7: {  	s7 =	smul.u32 $0x2C00, s2;
	s2 =	rddreg [dreg:$0x3];
	s11 =	sshrl.u32 s9, $0x1  }
0x8: {  	_ =	strace $0x80000047;
	s14 =	sadd.s32 s10, s8;
	s28 =	ssub.s32 s9, s11  }
0x9: {  	s7 =	sshrl.u32 s7, $0x3;
	s29 =	sor.u32 $0x4000, s14;
	s30 =	sor.u32 $0x10000, s14  }
0xa: {  	s10 =	sor.u32 $0xC000, s14;
	s31 =	sor.u32 $0x8000, s14;
	s5 =	sadd.s32 s6, s7  }
0xb: {  	s6 =	smax.u32 s28, $0x1;
	s7 =	sadd.s32 s13, s12;
	s8 =	sshrl.u32 s29, $0x3  }
0xc: {  	s9 =	sshrl.u32 s30, $0x3;
	s10 =	sshrl.u32 s10, $0x3;
	s11 =	sshrl.u32 s31, $0x3  }
0xd: {  	s12 =	sadd.s32 $0xFFFFC000, s14;
	s13 =	simm.s32 $0x7;
	s14 =	simm.s32 $0x0  }
.LBB2_1:
0xe: {  	[tilespmem:s4], [sflag:$0x7] =	stream.linear.gather [hbm4b:s5+s4], $0x2C00, $0x38;
	[tilespmem:$0x1AC00] =	vst v63  }
0xf: {  	s15 =	simm.s32 $0xFFFFFFFE;
	_ =	swait.ge [sflag:s13], $0x2C00  }
0x10: {  	s16 =	smov.u32 s12;
	s17 =	smov.u32 s3;
	[sflag:s13] =	ssyncset.done $0x0  }
0x11: {  	s18 =	simm.s32 $0x0;
	s19 =	simm.s32 $0x0;
	[sflag:s13] =	ssyncadd.s32 $0xFFFFD400  }
.LBB2_2:
0x12: {  	p0 =	sgt.u32 s15, $0x57  }
0x13: {  	s20 =	simm.s32 @!p0 $0x5  }
0x14: {  	_ =	swait.ge @!p0 [sflag:s20], $0x4000  }
0x15: {  	[sflag:s20] =	ssyncset.done @!p0 $0x0  }
0x16: {  	[sflag:s20] =	ssyncadd.s32 @!p0 $0xFFFFC000;
	p0 =	seq.s32 s18, $0xB400  }
0x17: {  	s20 =	sshra.s32 @!p0 s18, $0x2  }
0x18: {  	s21 =	simm.s32 @!p0 $0x80;
	s22 =	simm.s32 @!p0 $0x2C00;
	s23 =	sadd.s32 @!p0 $0x1, s15  }
0x19: {  	[tilespmem:s22], [sflag:$0x1] =	stream.indirect.gather @!p0 [hbm4b:s1+s21], $0x80, s20, s21, $0xb8;
	[tilespmem:$0x1AC00] =	vst v63  }
0x1a: {  	p1 =	sgt.u32 @!p0 s23, $0x57  }
0x1b: {  	p1 =	por p1, p0  }
0x1c: {  	s23 =	simm.s32 @!p1 $0x6  }
0x1d: {  	_ =	swait.ge @!p1 [sflag:s23], $0x4000  }
0x1e: {  	s24 =	sshrl.u32 @!p1 s16, $0x3;
	s25 =	simm.s32 @!p1 $0x0;
	[sflag:s23] =	ssyncset.done @!p1 $0x0  }
0x1f: {  	s26 =	simm.s32 @!p1 $0x16C00;
	s24 =	sadd.s32 @!p1 s3, s24;
	[sflag:s23] =	ssyncadd.s32 @!p1 $0xFFFFC000  }
0x20: {  	[hbm4b:s24+s25] =	stream.linear.scatter @!p1 [tilespmem:s26], [sflag:$0x6], $0x4000, $0x38;
	[tilespmem:$0x1AC00] =	vst v63  }
0x21: {  	_ =	swait.ge @!p1 [sflag:s23], $0x4000  }
0x22: {  	[sflag:s23] =	ssyncset.done @!p1 $0x0  }
0x23: {  	s24 =	simm.s32 @!p0 $0x6C00;
	[sflag:s23] =	ssyncadd.s32 @!p1 $0xFFFFC000;
	s23 =	sadd.s32 @!p0 $0x80, s20  }
0x24: {  	[tilespmem:s24], [sflag:$0x2] =	stream.indirect.gather @!p0 [hbm4b:s1+s21], $0x80, s23, s21, $0xb8;
	[tilespmem:$0x1AC00] =	vst v63  }
0x25: {  	s23 =	simm.s32 @!p0 $0x1  }
0x26: {  	_ =	swait.ge @!p0 [sflag:s23], $0x4000  }
0x27: {  	[sflag:s23] =	ssyncset.done @!p0 $0x0  }
0x28: {  	s25 =	sadd.s32 @!p0 s17, s7;
	s26 =	simm.s32 @!p0 $0x0;
	[sflag:s23] =	ssyncadd.s32 @!p0 $0xFFFFC000  }
0x29: {  	[hbm4b:s25+s26] =	stream.linear.scatter @!p0 [tilespmem:s22], [sflag:$0x1], $0x4000, $0x38;
	[tilespmem:$0x1AC00] =	vst v63  }
0x2a: {  	_ =	swait.ge @!p0 [sflag:s23], $0x4000  }
0x2b: {  	[sflag:s23] =	ssyncset.done @!p0 $0x0  }
0x2c: {  	s22 =	sadd.s32 @!p0 $0x100, s20;
	[sflag:s23] =	ssyncadd.s32 @!p0 $0xFFFFC000;
	s23 =	simm.s32 @!p0 $0xAC00  }
0x2d: {  	[tilespmem:s23], [sflag:$0x3] =	stream.indirect.gather @!p0 [hbm4b:s1+s21], $0x80, s22, s21, $0xb8;
	[tilespmem:$0x1AC00] =	vst v63  }
0x2e: {  	s22 =	simm.s32 @!p0 $0x2  }
0x2f: {  	_ =	swait.ge @!p0 [sflag:s22], $0x4000  }
0x30: {  	[sflag:s22] =	ssyncset.done @!p0 $0x0  }
0x31: {  	s25 =	sadd.s32 @!p0 s17, s8;
	[sflag:s22] =	ssyncadd.s32 @!p0 $0xFFFFC000  }
0x32: {  	[hbm4b:s25+s26] =	stream.linear.scatter @!p0 [tilespmem:s24], [sflag:$0x2], $0x4000, $0x38;
	[tilespmem:$0x1AC00] =	vst v63  }
0x33: {  	_ =	swait.ge @!p0 [sflag:s22], $0x4000  }
0x34: {  	[sflag:s22] =	ssyncset.done @!p0 $0x0  }
0x35: {  	s20 =	sadd.s32 @!p0 $0x180, s20;
	[sflag:s22] =	ssyncadd.s32 @!p0 $0xFFFFC000;
	s22 =	simm.s32 @!p0 $0xEC00  }
0x36: {  	[tilespmem:s22], [sflag:$0x4] =	stream.indirect.gather @!p0 [hbm4b:s1+s21], $0x80, s20, s21, $0xb8;
	[tilespmem:$0x1AC00] =	vst v63  }
0x37: {  	s20 =	simm.s32 @!p0 $0x3  }
0x38: {  	_ =	swait.ge @!p0 [sflag:s20], $0x4000  }
0x39: {  	[sflag:s20] =	ssyncset.done @!p0 $0x0  }
0x3a: {  	s21 =	sadd.s32 @!p0 s17, s11;
	[sflag:s20] =	ssyncadd.s32 @!p0 $0xFFFFC000  }
0x3b: {  	[hbm4b:s21+s26] =	stream.linear.scatter @!p0 [tilespmem:s23], [sflag:$0x3], $0x4000, $0x38;
	[tilespmem:$0x1AC00] =	vst v63  }
0x3c: {  	p1 =	sgt.u32 @!p0 s19, $0xD;
	_ =	swait.ge @!p0 [sflag:s20], $0x4000  }
0x3d: {  	p1 =	por p1, p0;
	[sflag:s20] =	ssyncset.done @!p0 $0x0  }
0x3e: {  	[sflag:s20] =	ssyncadd.s32 @!p0 $0xFFFFC000;
	s20 =	sshra.s32 @!p1 s18, $0x2  }
0x3f: {  	s24 =	simm.s32 @!p1 $0x12C00;
	s23 =	simm.s32 @!p1 $0x80;
	s21 =	sadd.s32 @!p1 $0x200, s20  }
0x40: {  	[tilespmem:s24], [sflag:$0x5] =	stream.indirect.gather @!p1 [hbm4b:s1+s23], $0x80, s21, s23, $0xb8;
	[tilespmem:$0x1AC00] =	vst v63  }
0x41: {  	s21 =	simm.s32 @!p0 $0x4  }
0x42: {  	_ =	swait.ge @!p0 [sflag:s21], $0x4000  }
0x43: {  	[sflag:s21] =	ssyncset.done @!p0 $0x0  }
0x44: {  	s25 =	sadd.s32 @!p0 s17, s10;
	[sflag:s21] =	ssyncadd.s32 @!p0 $0xFFFFC000  }
0x45: {  	[hbm4b:s25+s26] =	stream.linear.scatter @!p0 [tilespmem:s22], [sflag:$0x4], $0x4000, $0x38;
	[tilespmem:$0x1AC00] =	vst v63  }
0x46: {  	_ =	swait.ge @!p0 [sflag:s21], $0x4000  }
0x47: {  	[sflag:s21] =	ssyncset.done @!p0 $0x0  }
0x48: {  	s20 =	sadd.s32 @!p1 $0x280, s20;
	[sflag:s21] =	ssyncadd.s32 @!p0 $0xFFFFC000;
	s21 =	simm.s32 @!p1 $0x16C00  }
0x49: {  	[tilespmem:s21], [sflag:$0x6] =	stream.indirect.gather @!p1 [hbm4b:s1+s23], $0x80, s20, s23, $0xb8;
	[tilespmem:$0x1AC00] =	vst v63  }
0x4a: {  	s20 =	simm.s32 @!p1 $0x5  }
0x4b: {  	_ =	swait.ge @!p1 [sflag:s20], $0x4000  }
0x4c: {  	s18 =	sadd.s32 @!p0 $0xC00, s18;
	[sflag:s20] =	ssyncset.done @!p1 $0x0  }
0x4d: {  	s21 =	simm.s32 @!p1 $0x0;
	[sflag:s20] =	ssyncadd.s32 @!p1 $0xFFFFC000;
	s20 =	sadd.s32 @!p1 s17, s9  }
0x4e: {  	[hbm4b:s20+s21] =	stream.linear.scatter @!p1 [tilespmem:s24], [sflag:$0x5], $0x4000, $0x38;
	[tilespmem:$0x1AC00] =	vst v63  }
0x4f: {  	p1 =	sne.s32 @!p0 s18, $0xC000  }
0x50: {  	p1 =	por p0, !p1  }
.Ltmp0:
0x51: {  	_ = 	snop;
	(pc) =	sbr.rel @!p1 .LBB2_2-.Ltmp0, $3  }
0x52: {  	_ =	sdelay $0x1  }
0x53: {  	s15 =	sadd.s32 @!p0 $0x6, s15  }
0x54: {  	s16 =	sadd.s32 @!p0 $0x18000, s16;
	s19 =	sadd.s32 @!p0 $0x1, s19;
	s17 =	sadd.s32 @!p0 $0x3000, s17  }
0x55: {  	s14 =	sadd.s32 $0x1, s14  }
0x56: {  	p0 =	sne.s32 s14, s6  }
.Ltmp1:
0x57: {  	_ = 	snop;
	(pc) =	sbr.rel @p0 .LBB2_1-.Ltmp1, $1  }
0x58: {  	_ =	sdelay $0x3  }
0x59: {  	_ =	sfence.sel $0x180000  }
0x5a: {  	[bflag:$0x0] =	sbarrier.arrive $0xFFFF  }
0x5b: {  	p0 =	sne.s32 s0, $0x0;
	_ =	strace $0x90000047  }
0x5c: {  	s0 =	sadd.s32 @!p0 $0x100000, s2;
	[bflag:$0x2] =	sbarrier.arrive $0xFFFF  }
0x5d: {  	[sflag:s0] =	ssyncadd.tile.s32 @!p0 $0x1;
	_ =	shalt  }
.Lfunc_end2:
_tile_overlayer_lowered:
.L_overlay_start_2:
0x5e: {  	(tag) =	ssettag $0x2  }
0x5f: {  	s0 =	rddreg [dreg:$0x0];
	s2 =	stileid.u32  }
0x60: {  	s1 =	rddreg [dreg:$0x1];
	p0 =	sne.s32 s2, $0x0  }
0x61: {  	s3 =	rddreg [dreg:$0x2];
	[bflag:$0x3] =	sbarrier.arrive $0xFFFF;
	s2 =	simm.s32 @!p0 $0x1C07  }
0x62: {  	[timem:s3], [sflag:s2] =	dma.local @!p0 [hbm:s0], s1  }
0x63: {  	s0 =	simm.s32 @!p0 $0x7  }
0x64: {  	_ =	swait.ge @!p0 [sflag:s0], s1  }
0x65: {  	s1 =	ssub.s32 @!p0 $0x0, s1;
	[sflag:s0] =	ssyncset.done @!p0 $0x0  }
0x66: {  	[sflag:s0] =	ssyncadd.s32 @!p0 s1  }
0x67: {  	[bflag:$0x3] =	sbarrier.arrive $0xFFFF  }
0x68: {  	_ =	shalt  }

</sc_bundles>
